<compile_context>
chip_gen: v7x
topology: tpu7x:2x2x1
jax: 0.10.2.dev20260603
libtpu: 0.0.44.dev20260713+nightly
codegen_flags: <defaults>
</compile_context>

<pallas_src>
import functools

import jax
import jax.numpy as jnp
from jax import lax
from jax.experimental import pallas as pl
from jax.experimental.pallas import tpu as pltpu
from jax.experimental.pallas import tpu_sc as plsc

E = 8
TOPK = 2
BT = 256
_GELU_C = 0.7978845608028654


def _gelu_tanh(x):
    return 0.5 * x * (1.0 + jnp.tanh(_GELU_C * (x + 0.044715 * x * x * x)))



def _router_kernel(flat_ref, rw_ref, idx_ref, prob_ref):
    logits = lax.dot_general(
        rw_ref[...], flat_ref[...], (((1,), (1,)), ((), ())),
        preferred_element_type=jnp.float32)
    e, t = logits.shape
    ids = lax.broadcasted_iota(jnp.int32, (e, t), 0)
    m1 = jnp.max(logits, axis=0, keepdims=True)
    a1 = jnp.min(jnp.where(logits == m1, ids, e), axis=0, keepdims=True)
    l2 = jnp.where(ids == a1, -jnp.inf, logits)
    m2 = jnp.max(l2, axis=0, keepdims=True)
    a2 = jnp.min(jnp.where(l2 == m2, ids, e), axis=0, keepdims=True)
    e2 = jnp.exp(m2 - m1)
    p1 = 1.0 / (1.0 + e2)
    p2 = e2 * p1
    idx_ref[...] = jnp.concatenate([a1, a2], axis=0)
    prob_ref[...] = jnp.concatenate([p1, p2], axis=0)



def _dispatch_body(a_hbm, pr_hbm, tok_hbm, psort_hbm, pos_hbm, off_hbm,
                   a_v, pr_v, tok_v, psort_v, pos_v, run_v, off_v):
    wid = lax.axis_index("s") * 2 + lax.axis_index("c")
    na = a_v.shape[0]
    nb = tok_v.shape[0]

    @pl.when(wid == 0)
    def _():
        pltpu.sync_copy(a_hbm, a_v)
        pltpu.sync_copy(pr_hbm, pr_v)
        zi = jnp.zeros((16,), jnp.int32)
        run_v[...] = zi

        @plsc.parallel_loop(0, nb, step=16, unroll=8)
        def _(j):
            tok_v[pl.ds(j, 16)] = jnp.zeros((16,), jnp.int32)
            psort_v[pl.ds(j, 16)] = jnp.zeros((16,), jnp.float32)

        def count_body(j, c):
            a = a_v[pl.ds(j * 16, 16)]
            r, last = plsc.scan_count(a)
            base = plsc.load_gather(run_v, [a])
            plsc.store_scatter(run_v, [a], base + r, mask=last)
            return c
        lax.fori_loop(0, na // 16, count_body, 0)

        cnt = run_v[...]
        pad = ((cnt + (BT - 1)) >> 8) << 8
        off_incl = plsc.cumsum(pad)
        off_v[...] = off_incl
        run_v[...] = off_incl - pad

        def pos_body(j, c):
            a = a_v[pl.ds(j * 16, 16)]
            r, last = plsc.scan_count(a)
            base = plsc.load_gather(run_v, [a])
            pos = base + r - 1
            plsc.store_scatter(run_v, [a], pos + 1, mask=last)
            pos_v[pl.ds(j * 16, 16)] = pos
            toks = (j * 16 + lax.broadcasted_iota(jnp.int32, (16,), 0)) >> 1
            plsc.store_scatter(tok_v, [pos], toks)
            plsc.store_scatter(psort_v, [pos], pr_v[pl.ds(j * 16, 16)])
            return c
        lax.fori_loop(0, na // 16, pos_body, 0)

        pltpu.sync_copy(tok_v, tok_hbm)
        pltpu.sync_copy(psort_v, psort_hbm)
        pltpu.sync_copy(pos_v, pos_hbm)
        pltpu.sync_copy(off_v, off_hbm)



def _gather_body(flat_hbm, tok_hbm, xs_hbm, idx_a, idx_b, idx_c, idx_d,
                 buf_a, buf_b, gsem, ssem_a, ssem_b):
    wid = lax.axis_index("s") * 2 + lax.axis_index("c")
    chunk = buf_a.shape[0]
    idxs = (idx_a, idx_b, idx_c, idx_d)
    nch = len(idxs)
    rows = chunk * nch
    base = wid * rows
    for c in range(nch):
        pltpu.sync_copy(tok_hbm.at[pl.ds(base + c * chunk, chunk)], idxs[c])
    bufs = (buf_a, buf_b)
    ssems = (ssem_a, ssem_b)
    handles = [None, None]
    for c in range(nch):
        buf = bufs[c % 2]
        if handles[c % 2] is not None:
            handles[c % 2].wait()
        pltpu.async_copy(flat_hbm.at[idxs[c]], buf, gsem).wait()
        handles[c % 2] = pltpu.async_copy(
            buf, xs_hbm.at[pl.ds(base + c * chunk, chunk)], ssems[c % 2])
    for h in handles:
        if h is not None:
            h.wait()



def _ffn_kernel(eid_ref, xs_ref, w1_ref, w2_ref, prob_ref, ys_ref,
                w1b_ref, w2b_ref):
    i = pl.program_id(0)
    e = eid_ref[i]
    prev = eid_ref[jnp.maximum(i - 1, 0)]

    @pl.when((i == 0) | (e != prev))
    def _():
        w1b_ref[...] = w1_ref[0].astype(jnp.bfloat16)
        w2b_ref[...] = w2_ref[0].astype(jnp.bfloat16)

    x = xs_ref[...].astype(jnp.bfloat16)
    h = jnp.dot(x, w1b_ref[...], preferred_element_type=jnp.float32)
    h = _gelu_tanh(h)
    y = jnp.dot(h.astype(jnp.bfloat16), w2b_ref[...],
                preferred_element_type=jnp.float32)
    ys_ref[...] = y * prob_ref[...]



def _combine_body(ys_hbm, p1_hbm, p2_hbm, out_hbm, i1_a, i1_b, i2_a, i2_b,
                  buf_a, buf_b, sem_a, sem_b, osem):
    wid = lax.axis_index("s") * 2 + lax.axis_index("c")
    chunk = buf_a.shape[0]
    i1s = (i1_a, i1_b)
    i2s = (i2_a, i2_b)
    nch = len(i1s)
    ntok = chunk * nch
    h = buf_a.shape[1]
    base = wid * ntok
    for c in range(nch):
        pltpu.sync_copy(p1_hbm.at[pl.ds(base + c * chunk, chunk)], i1s[c])
        pltpu.sync_copy(p2_hbm.at[pl.ds(base + c * chunk, chunk)], i2s[c])
    for c in range(nch):
        ca = pltpu.async_copy(ys_hbm.at[i1s[c]], buf_a, sem_a)
        cb = pltpu.async_copy(ys_hbm.at[i2s[c]], buf_b, sem_b)
        ca.wait()
        cb.wait()

        @plsc.parallel_loop(0, chunk * h, step=16, unroll=8)
        def _(j):
            r = j // h
            o = j % h
            buf_a[r, pl.ds(o, 16)] = buf_a[r, pl.ds(o, 16)] + buf_b[r, pl.ds(o, 16)]
        pltpu.async_copy(buf_a, out_hbm.at[pl.ds(base + c * chunk, chunk)],
                         osem).wait()



def kernel(hidden_states, router_weight, w1, w2):
    b, s, h = hidden_states.shape
    t = b * s
    dff = w1.shape[2]
    na = t * TOPK
    nblk = na // BT + E
    nrow = nblk * BT
    flat = hidden_states.reshape(t, h)

    idx2, prob2 = pl.pallas_call(
        _router_kernel,
        out_shape=(jax.ShapeDtypeStruct((2, t), jnp.int32),
                   jax.ShapeDtypeStruct((2, t), jnp.float32)),
    )(flat, router_weight)
    a_flat = idx2.T.reshape(na)
    pr_flat = prob2.T.reshape(na)

    mesh = plsc.VectorSubcoreMesh(core_axis_name="c", subcore_axis_name="s",
                                  num_cores=2)
    nw = 32

    tok_sorted, prob_sorted, pos, off_incl = pl.kernel(
        _dispatch_body,
        out_type=(jax.ShapeDtypeStruct((nrow,), jnp.int32),
                  jax.ShapeDtypeStruct((nrow,), jnp.float32),
                  jax.ShapeDtypeStruct((na,), jnp.int32),
                  jax.ShapeDtypeStruct((16,), jnp.int32)),
        mesh=mesh,
        compiler_params=pltpu.CompilerParams(needs_layout_passes=False),
        scratch_types=[
            pltpu.VMEM((na,), jnp.int32),
            pltpu.VMEM((na,), jnp.float32),
            pltpu.VMEM((nrow,), jnp.int32),
            pltpu.VMEM((nrow,), jnp.float32),
            pltpu.VMEM((na,), jnp.int32),
            pltpu.VMEM((16,), jnp.int32),
            pltpu.VMEM((16,), jnp.int32),
        ],
    )(a_flat, pr_flat)

    xs = pl.kernel(
        _gather_body,
        out_type=jax.ShapeDtypeStruct((nrow, h), jnp.float32),
        mesh=mesh,
        compiler_params=pltpu.CompilerParams(needs_layout_passes=False),
        scratch_types=[
            pltpu.VMEM((48,), jnp.int32),
            pltpu.VMEM((48,), jnp.int32),
            pltpu.VMEM((48,), jnp.int32),
            pltpu.VMEM((48,), jnp.int32),
            pltpu.VMEM((48, h), jnp.float32),
            pltpu.VMEM((48, h), jnp.float32),
            pltpu.SemaphoreType.DMA,
            pltpu.SemaphoreType.DMA,
            pltpu.SemaphoreType.DMA,
        ],
    )(flat, tok_sorted)

    blk = jnp.arange(nblk, dtype=jnp.int32) * BT
    eid = jnp.sum((blk[:, None] >= off_incl[None, :E]).astype(jnp.int32),
                  axis=1)
    eid = jnp.minimum(eid, E - 1)

    ys = pl.pallas_call(
        _ffn_kernel,
        grid_spec=pltpu.PrefetchScalarGridSpec(
            num_scalar_prefetch=1,
            grid=(nblk,),
            in_specs=[
                pl.BlockSpec((BT, h), lambda i, eid_ref: (i, 0)),
                pl.BlockSpec((1, h, dff), lambda i, eid_ref: (eid_ref[i], 0, 0)),
                pl.BlockSpec((1, dff, h), lambda i, eid_ref: (eid_ref[i], 0, 0)),
                pl.BlockSpec((BT, 1), lambda i, eid_ref: (i, 0)),
            ],
            out_specs=pl.BlockSpec((BT, h), lambda i, eid_ref: (i, 0)),
            scratch_shapes=[
                pltpu.VMEM((h, dff), jnp.bfloat16),
                pltpu.VMEM((dff, h), jnp.bfloat16),
            ],
        ),
        out_shape=jax.ShapeDtypeStruct((nrow, h), jnp.float32),
    )(eid, xs, w1, w2, prob_sorted.reshape(nrow, 1))

    pos2d = pos.reshape(t, TOPK)
    pos_a = pos2d[:, 0]
    pos_b = pos2d[:, 1]

    out = pl.kernel(
        _combine_body,
        out_type=jax.ShapeDtypeStruct((t, h), jnp.float32),
        mesh=mesh,
        compiler_params=pltpu.CompilerParams(needs_layout_passes=False),
        scratch_types=[
            pltpu.VMEM((32,), jnp.int32),
            pltpu.VMEM((32,), jnp.int32),
            pltpu.VMEM((32,), jnp.int32),
            pltpu.VMEM((32,), jnp.int32),
            pltpu.VMEM((32, h), jnp.float32),
            pltpu.VMEM((32, h), jnp.float32),
            pltpu.SemaphoreType.DMA,
            pltpu.SemaphoreType.DMA,
            pltpu.SemaphoreType.DMA,
        ],
    )(ys, pos_a, pos_b)
    return out.reshape(b, s, h)

# --- scband reference (transcript-rebuilt; emitter-appended) ---
"""Pipeline reference for scband-mo-elayer-61942018343435 (READ-ONLY COPY).

The authoritative reference and input builder live on the scoring server;
editing this copy changes nothing except your own understanding.
"""

import jax, jax.numpy as jnp
import numpy as np

B, S, H = 1, 2048, 1024
E = 8
DFF = 1024
TOPK = 2


def gelu_tanh(x):
    return 0.5 * x * (1.0 + jnp.tanh(jnp.sqrt(2.0 / jnp.pi) * (x + 0.044715 * jnp.power(x, 3))))


def setup_inputs(seed: int = 0) -> dict:
    key = jax.random.key(seed)
    k0, k1, k2, k3 = jax.random.split(key, 4)
    hidden_states = jax.random.normal(k0, (B, S, H), dtype=jnp.float32)
    router_weight = jax.random.normal(k1, (E, H), dtype=jnp.float32) * 0.02
    w1 = jax.random.normal(k2, (E, H, DFF), dtype=jnp.float32) * 0.02
    w2 = jax.random.normal(k3, (E, DFF, H), dtype=jnp.float32) * 0.02
    return {"hidden_states": hidden_states, "router_weight": router_weight, "w1": w1, "w2": w2}


def reference(hidden_states, router_weight, w1, w2):
    b, s, h = hidden_states.shape
    flat = hidden_states.reshape(-1, h)  # [T, H]
    # Router gating in fp32 (moe_router_dtype='fp32')
    logits = jnp.dot(flat.astype(jnp.float32), router_weight.astype(jnp.float32).T)  # [T, E]
    # score_function='softmax', use_pre_softmax=False: topk on logits then softmax
    scores, top_indices = jax.lax.top_k(logits, TOPK)  # [T, k]
    probs = jax.nn.softmax(scores.astype(jnp.float32), axis=-1).astype(flat.dtype)  # [T, k]
    # Per-token combine weight for each expert: sum_k probs[:,k] * 1[top_idx[:,k]==e]
    one_hot = jax.nn.one_hot(top_indices, E, dtype=flat.dtype)  # [T, k, E]
    combine = jnp.einsum('tk,tke->te', probs, one_hot)  # [T, E]
    # Dense expert compute (mathematically equal to masked per-expert loop since
    # combine weight is zero for tokens not routed to an expert)
    h1 = jnp.einsum('th,ehf->tef', flat, w1)  # [T, E, DFF]
    h1 = gelu_tanh(h1)
    expert_out = jnp.einsum('tef,efh->teh', h1, w2)  # [T, E, H]
    out = jnp.einsum('te,teh->th', combine, expert_out)  # [T, H]
    return out.reshape(b, s, h)

if __name__ == "__main__":
    import jax
    _d = setup_inputs()
    print(jax.jit(kernel)(*tuple(_d.values())))

</pallas_src>

<mosaic_0001>
#map = affine_map<(d0, d1) -> (0, 0)>
#map1 = affine_map<(d0, d1) -> (0)>
module attributes {stable_mosaic.version = 14 : i64} {
  func.func @_combine_body(%arg0: i32, %arg1: i32, %arg2: memref<6144x1024xf32, #tpu.memory_space<hbm>>, %arg3: memref<2048xi32, #tpu.memory_space<hbm>>, %arg4: memref<2048xi32, #tpu.memory_space<hbm>>, %arg5: memref<2048x1024xf32, #tpu.memory_space<hbm>>, %arg6: memref<32xi32, #tpu.memory_space<vmem>>, %arg7: memref<32xi32, #tpu.memory_space<vmem>>, %arg8: memref<32xi32, #tpu.memory_space<vmem>>, %arg9: memref<32xi32, #tpu.memory_space<vmem>>, %arg10: memref<32x1024xf32, #tpu.memory_space<vmem>>, %arg11: memref<32x1024xf32, #tpu.memory_space<vmem>>, %arg12: memref<!tpu.dma_semaphore, #tpu.memory_space<semaphore_mem>>, %arg13: memref<!tpu.dma_semaphore, #tpu.memory_space<semaphore_mem>>, %arg14: memref<!tpu.dma_semaphore, #tpu.memory_space<semaphore_mem>>) attributes {dimension_semantics = [#tpu.dimension_semantics<core_parallel>, #tpu.dimension_semantics<subcore_parallel>], iteration_bounds = array<i64: 2, 16>, scalar_prefetch = 0 : i64, scratch_operands = 9 : i64, tpu.core_type = #tpu.core_type<sc_vector_subcore>, window_params = [{transform_indices = #map}, {transform_indices = #map1}, {transform_indices = #map1}, {transform_indices = #map}]} {
    %mul3A = arith.constant 2 : i32
    %mul3A_0 = arith.muli %arg1, %mul3A : i32
    %add3A = arith.addi %mul3A_0, %arg0 : i32
    %mul3A_1 = arith.constant 64 : i32
    %mul3A_2 = arith.muli %add3A, %mul3A_1 : i32
    %add3A_3 = arith.constant 0 : i32
    %add3A_4 = arith.addi %mul3A_2, %add3A_3 : i32
    "tpu.region"() ({
      %run_scoped3A = tpu.sem_alloc : memref<!tpu.dma_semaphore, #tpu.memory_space<semaphore_mem>>
      %dma_start3A_58 = tpu.memref_slice %arg3[%add3A_4] : memref<2048xi32, #tpu.memory_space<hbm>> -> memref<32xi32, #tpu.memory_space<hbm>>
      %dma_start3A_59 = tpu.memref_slice %arg3[%add3A_4] : memref<2048xi32, #tpu.memory_space<hbm>> -> memref<32xi32, #tpu.memory_space<hbm>>
      tpu.enqueue_dma source(%dma_start3A_59 : memref<32xi32, #tpu.memory_space<hbm>>) target(%arg6 : memref<32xi32, #tpu.memory_space<vmem>>) target_semaphore(%run_scoped3A : memref<!tpu.dma_semaphore, #tpu.memory_space<semaphore_mem>>)
      %dma_wait3A_60 = tpu.memref_slice %arg3[%add3A_4] : memref<2048xi32, #tpu.memory_space<hbm>> -> memref<32xi32, #tpu.memory_space<hbm>>
      %dma_wait3A_61 = tpu.memref_slice %arg3[%add3A_4] : memref<2048xi32, #tpu.memory_space<hbm>> -> memref<32xi32, #tpu.memory_space<hbm>>
      tpu.wait_dma2 semaphore(%run_scoped3A : memref<!tpu.dma_semaphore, #tpu.memory_space<semaphore_mem>>) src(%dma_wait3A_61 : memref<32xi32, #tpu.memory_space<hbm>>) dst(%arg6 : memref<32xi32, #tpu.memory_space<vmem>>)
      tpu.yield
    }) : () -> ()
    %add3A_5 = arith.constant 0 : i32
    %add3A_6 = arith.addi %mul3A_2, %add3A_5 : i32
    "tpu.region"() ({
      %run_scoped3A = tpu.sem_alloc : memref<!tpu.dma_semaphore, #tpu.memory_space<semaphore_mem>>
      %dma_start3A_58 = tpu.memref_slice %arg4[%add3A_6] : memref<2048xi32, #tpu.memory_space<hbm>> -> memref<32xi32, #tpu.memory_space<hbm>>
      %dma_start3A_59 = tpu.memref_slice %arg4[%add3A_6] : memref<2048xi32, #tpu.memory_space<hbm>> -> memref<32xi32, #tpu.memory_space<hbm>>
      tpu.enqueue_dma source(%dma_start3A_59 : memref<32xi32, #tpu.memory_space<hbm>>) target(%arg8 : memref<32xi32, #tpu.memory_space<vmem>>) target_semaphore(%run_scoped3A : memref<!tpu.dma_semaphore, #tpu.memory_space<semaphore_mem>>)
      %dma_wait3A_60 = tpu.memref_slice %arg4[%add3A_6] : memref<2048xi32, #tpu.memory_space<hbm>> -> memref<32xi32, #tpu.memory_space<hbm>>
      %dma_wait3A_61 = tpu.memref_slice %arg4[%add3A_6] : memref<2048xi32, #tpu.memory_space<hbm>> -> memref<32xi32, #tpu.memory_space<hbm>>
      tpu.wait_dma2 semaphore(%run_scoped3A : memref<!tpu.dma_semaphore, #tpu.memory_space<semaphore_mem>>) src(%dma_wait3A_61 : memref<32xi32, #tpu.memory_space<hbm>>) dst(%arg8 : memref<32xi32, #tpu.memory_space<vmem>>)
      tpu.yield
    }) : () -> ()
    %add3A_7 = arith.constant 32 : i32
    %add3A_8 = arith.addi %mul3A_2, %add3A_7 : i32
    "tpu.region"() ({
      %run_scoped3A = tpu.sem_alloc : memref<!tpu.dma_semaphore, #tpu.memory_space<semaphore_mem>>
      %dma_start3A_58 = tpu.memref_slice %arg3[%add3A_8] : memref<2048xi32, #tpu.memory_space<hbm>> -> memref<32xi32, #tpu.memory_space<hbm>>
      %dma_start3A_59 = tpu.memref_slice %arg3[%add3A_8] : memref<2048xi32, #tpu.memory_space<hbm>> -> memref<32xi32, #tpu.memory_space<hbm>>
      tpu.enqueue_dma source(%dma_start3A_59 : memref<32xi32, #tpu.memory_space<hbm>>) target(%arg7 : memref<32xi32, #tpu.memory_space<vmem>>) target_semaphore(%run_scoped3A : memref<!tpu.dma_semaphore, #tpu.memory_space<semaphore_mem>>)
      %dma_wait3A_60 = tpu.memref_slice %arg3[%add3A_8] : memref<2048xi32, #tpu.memory_space<hbm>> -> memref<32xi32, #tpu.memory_space<hbm>>
      %dma_wait3A_61 = tpu.memref_slice %arg3[%add3A_8] : memref<2048xi32, #tpu.memory_space<hbm>> -> memref<32xi32, #tpu.memory_space<hbm>>
      tpu.wait_dma2 semaphore(%run_scoped3A : memref<!tpu.dma_semaphore, #tpu.memory_space<semaphore_mem>>) src(%dma_wait3A_61 : memref<32xi32, #tpu.memory_space<hbm>>) dst(%arg7 : memref<32xi32, #tpu.memory_space<vmem>>)
      tpu.yield
    }) : () -> ()
    %add3A_9 = arith.constant 32 : i32
    %add3A_10 = arith.addi %mul3A_2, %add3A_9 : i32
    "tpu.region"() ({
      %run_scoped3A = tpu.sem_alloc : memref<!tpu.dma_semaphore, #tpu.memory_space<semaphore_mem>>
      %dma_start3A_58 = tpu.memref_slice %arg4[%add3A_10] : memref<2048xi32, #tpu.memory_space<hbm>> -> memref<32xi32, #tpu.memory_space<hbm>>
      %dma_start3A_59 = tpu.memref_slice %arg4[%add3A_10] : memref<2048xi32, #tpu.memory_space<hbm>> -> memref<32xi32, #tpu.memory_space<hbm>>
      tpu.enqueue_dma source(%dma_start3A_59 : memref<32xi32, #tpu.memory_space<hbm>>) target(%arg9 : memref<32xi32, #tpu.memory_space<vmem>>) target_semaphore(%run_scoped3A : memref<!tpu.dma_semaphore, #tpu.memory_space<semaphore_mem>>)
      %dma_wait3A_60 = tpu.memref_slice %arg4[%add3A_10] : memref<2048xi32, #tpu.memory_space<hbm>> -> memref<32xi32, #tpu.memory_space<hbm>>
      %dma_wait3A_61 = tpu.memref_slice %arg4[%add3A_10] : memref<2048xi32, #tpu.memory_space<hbm>> -> memref<32xi32, #tpu.memory_space<hbm>>
      tpu.wait_dma2 semaphore(%run_scoped3A : memref<!tpu.dma_semaphore, #tpu.memory_space<semaphore_mem>>) src(%dma_wait3A_61 : memref<32xi32, #tpu.memory_space<hbm>>) dst(%arg9 : memref<32xi32, #tpu.memory_space<vmem>>)
      tpu.yield
    }) : () -> ()
    %dma_start3A = arith.constant 0 : i32
    %dma_start3A_11 = arith.constant 0 : i32
    %dma_start3A_12 = tpu.memref_slice %arg2[%dma_start3A, %dma_start3A_11] : memref<6144x1024xf32, #tpu.memory_space<hbm>> -> memref<6144x1024xf32, #tpu.memory_space<hbm>>
    tpu.enqueue_indirect_dma source(%dma_start3A_12 : memref<6144x1024xf32, #tpu.memory_space<hbm>>) target(%arg10 : memref<32x1024xf32, #tpu.memory_space<vmem>>) offsets(%arg6 : memref<32xi32, #tpu.memory_space<vmem>>) semaphore(%arg12 : memref<!tpu.dma_semaphore, #tpu.memory_space<semaphore_mem>>)
    %dma_start3A_13 = arith.constant 0 : i32
    %dma_start3A_14 = arith.constant 0 : i32
    %dma_start3A_15 = tpu.memref_slice %arg2[%dma_start3A_13, %dma_start3A_14] : memref<6144x1024xf32, #tpu.memory_space<hbm>> -> memref<6144x1024xf32, #tpu.memory_space<hbm>>
    tpu.enqueue_indirect_dma source(%dma_start3A_15 : memref<6144x1024xf32, #tpu.memory_space<hbm>>) target(%arg11 : memref<32x1024xf32, #tpu.memory_space<vmem>>) offsets(%arg8 : memref<32xi32, #tpu.memory_space<vmem>>) semaphore(%arg13 : memref<!tpu.dma_semaphore, #tpu.memory_space<semaphore_mem>>)
    %dma_wait3A = arith.constant 0 : i32
    %dma_wait3A_16 = arith.constant 0 : i32
    %dma_wait3A_17 = tpu.memref_slice %arg2[%dma_wait3A, %dma_wait3A_16] : memref<6144x1024xf32, #tpu.memory_space<hbm>> -> memref<6144x1024xf32, #tpu.memory_space<hbm>>
    tpu.wait_indirect_dma semaphore(%arg12 : memref<!tpu.dma_semaphore, #tpu.memory_space<semaphore_mem>>) src(%dma_wait3A_17 : memref<6144x1024xf32, #tpu.memory_space<hbm>>) dst(%arg10 : memref<32x1024xf32, #tpu.memory_space<vmem>>)
    %dma_wait3A_18 = arith.constant 0 : i32
    %dma_wait3A_19 = arith.constant 0 : i32
    %dma_wait3A_20 = tpu.memref_slice %arg2[%dma_wait3A_18, %dma_wait3A_19] : memref<6144x1024xf32, #tpu.memory_space<hbm>> -> memref<6144x1024xf32, #tpu.memory_space<hbm>>
    tpu.wait_indirect_dma semaphore(%arg13 : memref<!tpu.dma_semaphore, #tpu.memory_space<semaphore_mem>>) src(%dma_wait3A_20 : memref<6144x1024xf32, #tpu.memory_space<hbm>>) dst(%arg11 : memref<32x1024xf32, #tpu.memory_space<vmem>>)
    %parallel_loop3A = arith.constant 0 : i32
    %parallel_loop3A_21 = arith.constant 32768 : i32
    %parallel_loop3A_22 = arith.constant 16 : i32
    scf.for %parallel_loop3A_58 = %parallel_loop3A to %parallel_loop3A_21 step %parallel_loop3A_22  : i32 {
      %parallel_loop3A_59 = arith.constant 1024 : i32
      %parallel_loop3A_60 = arith.divsi %parallel_loop3A_58, %parallel_loop3A_59 : i32
      %parallel_loop3A_61 = arith.constant 0 : i32
      %parallel_loop3A_62 = arith.cmpi sgt, %parallel_loop3A_58, %parallel_loop3A_61 : i32
      %parallel_loop3A_63 = arith.extui %parallel_loop3A_62 : i1 to i32
      %parallel_loop3A_64 = arith.constant 0 : i32
      %parallel_loop3A_65 = arith.cmpi slt, %parallel_loop3A_58, %parallel_loop3A_64 : i32
      %parallel_loop3A_66 = arith.extui %parallel_loop3A_65 : i1 to i32
      %parallel_loop3A_67 = arith.subi %parallel_loop3A_63, %parallel_loop3A_66 : i32
      %parallel_loop3A_68 = arith.constant 0 : i32
      %parallel_loop3A_69 = arith.cmpi sgt, %parallel_loop3A_59, %parallel_loop3A_68 : i32
      %parallel_loop3A_70 = arith.extui %parallel_loop3A_69 : i1 to i32
      %parallel_loop3A_71 = arith.constant 0 : i32
      %parallel_loop3A_72 = arith.cmpi slt, %parallel_loop3A_59, %parallel_loop3A_71 : i32
      %parallel_loop3A_73 = arith.extui %parallel_loop3A_72 : i1 to i32
      %parallel_loop3A_74 = arith.subi %parallel_loop3A_70, %parallel_loop3A_73 : i32
      %parallel_loop3A_75 = arith.cmpi ne, %parallel_loop3A_67, %parallel_loop3A_74 : i32
      %parallel_loop3A_76 = arith.remsi %parallel_loop3A_58, %parallel_loop3A_59 : i32
      %parallel_loop3A_77 = arith.constant 0 : i32
      %parallel_loop3A_78 = arith.cmpi ne, %parallel_loop3A_76, %parallel_loop3A_77 : i32
      %parallel_loop3A_79 = arith.andi %parallel_loop3A_75, %parallel_loop3A_78 : i1
      %parallel_loop3A_80 = arith.constant 1 : i32
      %parallel_loop3A_81 = arith.subi %parallel_loop3A_60, %parallel_loop3A_80 : i32
      %parallel_loop3A_82 = arith.select %parallel_loop3A_79, %parallel_loop3A_81, %parallel_loop3A_60 : i32
      %parallel_loop3A_83 = arith.constant 1024 : i32
      %parallel_loop3A_84 = arith.constant 0 : i32
      %parallel_loop3A_85 = arith.cmpi eq, %parallel_loop3A_83, %parallel_loop3A_84 : i32
      %parallel_loop3A_86 = arith.constant 1 : i32
      %parallel_loop3A_87 = arith.select %parallel_loop3A_85, %parallel_loop3A_86, %parallel_loop3A_83 : i32
      %parallel_loop3A_88 = arith.remsi %parallel_loop3A_58, %parallel_loop3A_87 : i32
      %parallel_loop3A_89 = arith.constant 0 : i32
      %parallel_loop3A_90 = arith.cmpi ne, %parallel_loop3A_88, %parallel_loop3A_89 : i32
      %parallel_loop3A_91 = arith.constant 0 : i32
      %parallel_loop3A_92 = arith.cmpi slt, %parallel_loop3A_88, %parallel_loop3A_91 : i32
      %parallel_loop3A_93 = arith.constant 0 : i32
      %parallel_loop3A_94 = arith.cmpi slt, %parallel_loop3A_87, %parallel_loop3A_93 : i32
      %parallel_loop3A_95 = arith.xori %parallel_loop3A_92, %parallel_loop3A_94 : i1
      %parallel_loop3A_96 = arith.andi %parallel_loop3A_95, %parallel_loop3A_90 : i1
      %parallel_loop3A_97 = arith.addi %parallel_loop3A_88, %parallel_loop3A_87 : i32
      %parallel_loop3A_98 = arith.select %parallel_loop3A_96, %parallel_loop3A_97, %parallel_loop3A_88 : i32
      %parallel_loop3A_99 = arith.index_cast %parallel_loop3A_82 : i32 to index
      %parallel_loop3A_100 = arith.index_cast %parallel_loop3A_98 : i32 to index
      %parallel_loop3A_101 = tpu.vector_load %arg10[%parallel_loop3A_99, %parallel_loop3A_100] {strides = array<i32>} : memref<32x1024xf32, #tpu.memory_space<vmem>>, vector<16xf32>,
      %parallel_loop3A_102 = arith.index_cast %parallel_loop3A_82 : i32 to index
      %parallel_loop3A_103 = arith.index_cast %parallel_loop3A_98 : i32 to index
      %parallel_loop3A_104 = tpu.vector_load %arg11[%parallel_loop3A_102, %parallel_loop3A_103] {strides = array<i32>} : memref<32x1024xf32, #tpu.memory_space<vmem>>, vector<16xf32>,
      %parallel_loop3A_105 = arith.addf %parallel_loop3A_101, %parallel_loop3A_104 : vector<16xf32>
      %parallel_loop3A_106 = arith.index_cast %parallel_loop3A_82 : i32 to index
      %parallel_loop3A_107 = arith.index_cast %parallel_loop3A_98 : i32 to index
      %parallel_loop3A_108 = tpu.vector_load %arg10[%parallel_loop3A_106, %parallel_loop3A_107] {strides = array<i32>} : memref<32x1024xf32, #tpu.memory_space<vmem>>, vector<16xf32>,
      tpu.vector_store %arg10[%parallel_loop3A_106, %parallel_loop3A_107], %parallel_loop3A_105 {strides = array<i32>} : memref<32x1024xf32, #tpu.memory_space<vmem>>, vector<16xf32>,
    } {sc.loop_unroll_factor = 8 : i64, sc.parallel_access}
    %add3A_23 = arith.constant 0 : i32
    %add3A_24 = arith.addi %mul3A_2, %add3A_23 : i32
    %dma_start3A_25 = arith.constant 0 : i32
    %dma_start3A_26 = tpu.memref_slice %arg5[%add3A_24, %dma_start3A_25] : memref<2048x1024xf32, #tpu.memory_space<hbm>> -> memref<32x1024xf32, #tpu.memory_space<hbm>>
    %dma_start3A_27 = arith.constant 0 : i32
    %dma_start3A_28 = tpu.memref_slice %arg5[%add3A_24, %dma_start3A_27] : memref<2048x1024xf32, #tpu.memory_space<hbm>> -> memref<32x1024xf32, #tpu.memory_space<hbm>>
    tpu.enqueue_dma source(%arg10 : memref<32x1024xf32, #tpu.memory_space<vmem>>) target(%dma_start3A_28 : memref<32x1024xf32, #tpu.memory_space<hbm>>) target_semaphore(%arg14 : memref<!tpu.dma_semaphore, #tpu.memory_space<semaphore_mem>>)
    %dma_wait3A_29 = arith.constant 0 : i32
    %dma_wait3A_30 = tpu.memref_slice %arg5[%add3A_24, %dma_wait3A_29] : memref<2048x1024xf32, #tpu.memory_space<hbm>> -> memref<32x1024xf32, #tpu.memory_space<hbm>>
    %dma_wait3A_31 = arith.constant 0 : i32
    %dma_wait3A_32 = tpu.memref_slice %arg5[%add3A_24, %dma_wait3A_31] : memref<2048x1024xf32, #tpu.memory_space<hbm>> -> memref<32x1024xf32, #tpu.memory_space<hbm>>
    tpu.wait_dma2 semaphore(%arg14 : memref<!tpu.dma_semaphore, #tpu.memory_space<semaphore_mem>>) src(%arg10 : memref<32x1024xf32, #tpu.memory_space<vmem>>) dst(%dma_wait3A_32 : memref<32x1024xf32, #tpu.memory_space<hbm>>)
    %dma_start3A_33 = arith.constant 0 : i32
    %dma_start3A_34 = arith.constant 0 : i32
    %dma_start3A_35 = tpu.memref_slice %arg2[%dma_start3A_33, %dma_start3A_34] : memref<6144x1024xf32, #tpu.memory_space<hbm>> -> memref<6144x1024xf32, #tpu.memory_space<hbm>>
    tpu.enqueue_indirect_dma source(%dma_start3A_35 : memref<6144x1024xf32, #tpu.memory_space<hbm>>) target(%arg10 : memref<32x1024xf32, #tpu.memory_space<vmem>>) offsets(%arg7 : memref<32xi32, #tpu.memory_space<vmem>>) semaphore(%arg12 : memref<!tpu.dma_semaphore, #tpu.memory_space<semaphore_mem>>)
    %dma_start3A_36 = arith.constant 0 : i32
    %dma_start3A_37 = arith.constant 0 : i32
    %dma_start3A_38 = tpu.memref_slice %arg2[%dma_start3A_36, %dma_start3A_37] : memref<6144x1024xf32, #tpu.memory_space<hbm>> -> memref<6144x1024xf32, #tpu.memory_space<hbm>>
    tpu.enqueue_indirect_dma source(%dma_start3A_38 : memref<6144x1024xf32, #tpu.memory_space<hbm>>) target(%arg11 : memref<32x1024xf32, #tpu.memory_space<vmem>>) offsets(%arg9 : memref<32xi32, #tpu.memory_space<vmem>>) semaphore(%arg13 : memref<!tpu.dma_semaphore, #tpu.memory_space<semaphore_mem>>)
    %dma_wait3A_39 = arith.constant 0 : i32
    %dma_wait3A_40 = arith.constant 0 : i32
    %dma_wait3A_41 = tpu.memref_slice %arg2[%dma_wait3A_39, %dma_wait3A_40] : memref<6144x1024xf32, #tpu.memory_space<hbm>> -> memref<6144x1024xf32, #tpu.memory_space<hbm>>
    tpu.wait_indirect_dma semaphore(%arg12 : memref<!tpu.dma_semaphore, #tpu.memory_space<semaphore_mem>>) src(%dma_wait3A_41 : memref<6144x1024xf32, #tpu.memory_space<hbm>>) dst(%arg10 : memref<32x1024xf32, #tpu.memory_space<vmem>>)
    %dma_wait3A_42 = arith.constant 0 : i32
    %dma_wait3A_43 = arith.constant 0 : i32
    %dma_wait3A_44 = tpu.memref_slice %arg2[%dma_wait3A_42, %dma_wait3A_43] : memref<6144x1024xf32, #tpu.memory_space<hbm>> -> memref<6144x1024xf32, #tpu.memory_space<hbm>>
    tpu.wait_indirect_dma semaphore(%arg13 : memref<!tpu.dma_semaphore, #tpu.memory_space<semaphore_mem>>) src(%dma_wait3A_44 : memref<6144x1024xf32, #tpu.memory_space<hbm>>) dst(%arg11 : memref<32x1024xf32, #tpu.memory_space<vmem>>)
    %parallel_loop3A_45 = arith.constant 0 : i32
    %parallel_loop3A_46 = arith.constant 32768 : i32
    %parallel_loop3A_47 = arith.constant 16 : i32
    scf.for %parallel_loop3A_58 = %parallel_loop3A_45 to %parallel_loop3A_46 step %parallel_loop3A_47  : i32 {
      %parallel_loop3A_59 = arith.constant 1024 : i32
      %parallel_loop3A_60 = arith.divsi %parallel_loop3A_58, %parallel_loop3A_59 : i32
      %parallel_loop3A_61 = arith.constant 0 : i32
      %parallel_loop3A_62 = arith.cmpi sgt, %parallel_loop3A_58, %parallel_loop3A_61 : i32
      %parallel_loop3A_63 = arith.extui %parallel_loop3A_62 : i1 to i32
      %parallel_loop3A_64 = arith.constant 0 : i32
      %parallel_loop3A_65 = arith.cmpi slt, %parallel_loop3A_58, %parallel_loop3A_64 : i32
      %parallel_loop3A_66 = arith.extui %parallel_loop3A_65 : i1 to i32
      %parallel_loop3A_67 = arith.subi %parallel_loop3A_63, %parallel_loop3A_66 : i32
      %parallel_loop3A_68 = arith.constant 0 : i32
      %parallel_loop3A_69 = arith.cmpi sgt, %parallel_loop3A_59, %parallel_loop3A_68 : i32
      %parallel_loop3A_70 = arith.extui %parallel_loop3A_69 : i1 to i32
      %parallel_loop3A_71 = arith.constant 0 : i32
      %parallel_loop3A_72 = arith.cmpi slt, %parallel_loop3A_59, %parallel_loop3A_71 : i32
      %parallel_loop3A_73 = arith.extui %parallel_loop3A_72 : i1 to i32
      %parallel_loop3A_74 = arith.subi %parallel_loop3A_70, %parallel_loop3A_73 : i32
      %parallel_loop3A_75 = arith.cmpi ne, %parallel_loop3A_67, %parallel_loop3A_74 : i32
      %parallel_loop3A_76 = arith.remsi %parallel_loop3A_58, %parallel_loop3A_59 : i32
      %parallel_loop3A_77 = arith.constant 0 : i32
      %parallel_loop3A_78 = arith.cmpi ne, %parallel_loop3A_76, %parallel_loop3A_77 : i32
      %parallel_loop3A_79 = arith.andi %parallel_loop3A_75, %parallel_loop3A_78 : i1
      %parallel_loop3A_80 = arith.constant 1 : i32
      %parallel_loop3A_81 = arith.subi %parallel_loop3A_60, %parallel_loop3A_80 : i32
      %parallel_loop3A_82 = arith.select %parallel_loop3A_79, %parallel_loop3A_81, %parallel_loop3A_60 : i32
      %parallel_loop3A_83 = arith.constant 1024 : i32
      %parallel_loop3A_84 = arith.constant 0 : i32
      %parallel_loop3A_85 = arith.cmpi eq, %parallel_loop3A_83, %parallel_loop3A_84 : i32
      %parallel_loop3A_86 = arith.constant 1 : i32
      %parallel_loop3A_87 = arith.select %parallel_loop3A_85, %parallel_loop3A_86, %parallel_loop3A_83 : i32
      %parallel_loop3A_88 = arith.remsi %parallel_loop3A_58, %parallel_loop3A_87 : i32
      %parallel_loop3A_89 = arith.constant 0 : i32
      %parallel_loop3A_90 = arith.cmpi ne, %parallel_loop3A_88, %parallel_loop3A_89 : i32
      %parallel_loop3A_91 = arith.constant 0 : i32
      %parallel_loop3A_92 = arith.cmpi slt, %parallel_loop3A_88, %parallel_loop3A_91 : i32
      %parallel_loop3A_93 = arith.constant 0 : i32
      %parallel_loop3A_94 = arith.cmpi slt, %parallel_loop3A_87, %parallel_loop3A_93 : i32
      %parallel_loop3A_95 = arith.xori %parallel_loop3A_92, %parallel_loop3A_94 : i1
      %parallel_loop3A_96 = arith.andi %parallel_loop3A_95, %parallel_loop3A_90 : i1
      %parallel_loop3A_97 = arith.addi %parallel_loop3A_88, %parallel_loop3A_87 : i32
      %parallel_loop3A_98 = arith.select %parallel_loop3A_96, %parallel_loop3A_97, %parallel_loop3A_88 : i32
      %parallel_loop3A_99 = arith.index_cast %parallel_loop3A_82 : i32 to index
      %parallel_loop3A_100 = arith.index_cast %parallel_loop3A_98 : i32 to index
      %parallel_loop3A_101 = tpu.vector_load %arg10[%parallel_loop3A_99, %parallel_loop3A_100] {strides = array<i32>} : memref<32x1024xf32, #tpu.memory_space<vmem>>, vector<16xf32>,
      %parallel_loop3A_102 = arith.index_cast %parallel_loop3A_82 : i32 to index
      %parallel_loop3A_103 = arith.index_cast %parallel_loop3A_98 : i32 to index
      %parallel_loop3A_104 = tpu.vector_load %arg11[%parallel_loop3A_102, %parallel_loop3A_103] {strides = array<i32>} : memref<32x1024xf32, #tpu.memory_space<vmem>>, vector<16xf32>,
      %parallel_loop3A_105 = arith.addf %parallel_loop3A_101, %parallel_loop3A_104 : vector<16xf32>
      %parallel_loop3A_106 = arith.index_cast %parallel_loop3A_82 : i32 to index
      %parallel_loop3A_107 = arith.index_cast %parallel_loop3A_98 : i32 to index
      %parallel_loop3A_108 = tpu.vector_load %arg10[%parallel_loop3A_106, %parallel_loop3A_107] {strides = array<i32>} : memref<32x1024xf32, #tpu.memory_space<vmem>>, vector<16xf32>,
      tpu.vector_store %arg10[%parallel_loop3A_106, %parallel_loop3A_107], %parallel_loop3A_105 {strides = array<i32>} : memref<32x1024xf32, #tpu.memory_space<vmem>>, vector<16xf32>,
    } {sc.loop_unroll_factor = 8 : i64, sc.parallel_access}
    %add3A_48 = arith.constant 32 : i32
    %add3A_49 = arith.addi %mul3A_2, %add3A_48 : i32
    %dma_start3A_50 = arith.constant 0 : i32
    %dma_start3A_51 = tpu.memref_slice %arg5[%add3A_49, %dma_start3A_50] : memref<2048x1024xf32, #tpu.memory_space<hbm>> -> memref<32x1024xf32, #tpu.memory_space<hbm>>
    %dma_start3A_52 = arith.constant 0 : i32
    %dma_start3A_53 = tpu.memref_slice %arg5[%add3A_49, %dma_start3A_52] : memref<2048x1024xf32, #tpu.memory_space<hbm>> -> memref<32x1024xf32, #tpu.memory_space<hbm>>
    tpu.enqueue_dma source(%arg10 : memref<32x1024xf32, #tpu.memory_space<vmem>>) target(%dma_start3A_53 : memref<32x1024xf32, #tpu.memory_space<hbm>>) target_semaphore(%arg14 : memref<!tpu.dma_semaphore, #tpu.memory_space<semaphore_mem>>)
    %dma_wait3A_54 = arith.constant 0 : i32
    %dma_wait3A_55 = tpu.memref_slice %arg5[%add3A_49, %dma_wait3A_54] : memref<2048x1024xf32, #tpu.memory_space<hbm>> -> memref<32x1024xf32, #tpu.memory_space<hbm>>
    %dma_wait3A_56 = arith.constant 0 : i32
    %dma_wait3A_57 = tpu.memref_slice %arg5[%add3A_49, %dma_wait3A_56] : memref<2048x1024xf32, #tpu.memory_space<hbm>> -> memref<32x1024xf32, #tpu.memory_space<hbm>>
    tpu.wait_dma2 semaphore(%arg14 : memref<!tpu.dma_semaphore, #tpu.memory_space<semaphore_mem>>) src(%arg10 : memref<32x1024xf32, #tpu.memory_space<vmem>>) dst(%dma_wait3A_57 : memref<32x1024xf32, #tpu.memory_space<hbm>>)
    return
  }
}

#map = affine_map<(d0, d1) -> (0, 0)>
#map1 = affine_map<(d0, d1) -> (0)>
module attributes {stable_mosaic.version = 14 : i64} {
  func.func @_gather_body(%arg0: i32, %arg1: i32, %arg2: memref<2048x1024xf32, #tpu.memory_space<hbm>>, %arg3: memref<6144xi32, #tpu.memory_space<hbm>>, %arg4: memref<6144x1024xf32, #tpu.memory_space<hbm>>, %arg5: memref<48xi32, #tpu.memory_space<vmem>>, %arg6: memref<48xi32, #tpu.memory_space<vmem>>, %arg7: memref<48xi32, #tpu.memory_space<vmem>>, %arg8: memref<48xi32, #tpu.memory_space<vmem>>, %arg9: memref<48x1024xf32, #tpu.memory_space<vmem>>, %arg10: memref<48x1024xf32, #tpu.memory_space<vmem>>, %arg11: memref<!tpu.dma_semaphore, #tpu.memory_space<semaphore_mem>>, %arg12: memref<!tpu.dma_semaphore, #tpu.memory_space<semaphore_mem>>, %arg13: memref<!tpu.dma_semaphore, #tpu.memory_space<semaphore_mem>>) attributes {dimension_semantics = [#tpu.dimension_semantics<core_parallel>, #tpu.dimension_semantics<subcore_parallel>], iteration_bounds = array<i64: 2, 16>, scalar_prefetch = 0 : i64, scratch_operands = 9 : i64, tpu.core_type = #tpu.core_type<sc_vector_subcore>, window_params = [{transform_indices = #map}, {transform_indices = #map1}, {transform_indices = #map}]} {
    %mul3A = arith.constant 2 : i32
    %mul3A_0 = arith.muli %arg1, %mul3A : i32
    %add3A = arith.addi %mul3A_0, %arg0 : i32
    %mul3A_1 = arith.constant 192 : i32
    %mul3A_2 = arith.muli %add3A, %mul3A_1 : i32
    %add3A_3 = arith.constant 0 : i32
    %add3A_4 = arith.addi %mul3A_2, %add3A_3 : i32
    "tpu.region"() ({
      %run_scoped3A = tpu.sem_alloc : memref<!tpu.dma_semaphore, #tpu.memory_space<semaphore_mem>>
      %dma_start3A_73 = tpu.memref_slice %arg3[%add3A_4] : memref<6144xi32, #tpu.memory_space<hbm>> -> memref<48xi32, #tpu.memory_space<hbm>>
      %dma_start3A_74 = tpu.memref_slice %arg3[%add3A_4] : memref<6144xi32, #tpu.memory_space<hbm>> -> memref<48xi32, #tpu.memory_space<hbm>>
      tpu.enqueue_dma source(%dma_start3A_74 : memref<48xi32, #tpu.memory_space<hbm>>) target(%arg5 : memref<48xi32, #tpu.memory_space<vmem>>) target_semaphore(%run_scoped3A : memref<!tpu.dma_semaphore, #tpu.memory_space<semaphore_mem>>)
      %dma_wait3A_75 = tpu.memref_slice %arg3[%add3A_4] : memref<6144xi32, #tpu.memory_space<hbm>> -> memref<48xi32, #tpu.memory_space<hbm>>
      %dma_wait3A_76 = tpu.memref_slice %arg3[%add3A_4] : memref<6144xi32, #tpu.memory_space<hbm>> -> memref<48xi32, #tpu.memory_space<hbm>>
      tpu.wait_dma2 semaphore(%run_scoped3A : memref<!tpu.dma_semaphore, #tpu.memory_space<semaphore_mem>>) src(%dma_wait3A_76 : memref<48xi32, #tpu.memory_space<hbm>>) dst(%arg5 : memref<48xi32, #tpu.memory_space<vmem>>)
      tpu.yield
    }) : () -> ()
    %add3A_5 = arith.constant 48 : i32
    %add3A_6 = arith.addi %mul3A_2, %add3A_5 : i32
    "tpu.region"() ({
      %run_scoped3A = tpu.sem_alloc : memref<!tpu.dma_semaphore, #tpu.memory_space<semaphore_mem>>
      %dma_start3A_73 = tpu.memref_slice %arg3[%add3A_6] : memref<6144xi32, #tpu.memory_space<hbm>> -> memref<48xi32, #tpu.memory_space<hbm>>
      %dma_start3A_74 = tpu.memref_slice %arg3[%add3A_6] : memref<6144xi32, #tpu.memory_space<hbm>> -> memref<48xi32, #tpu.memory_space<hbm>>
      tpu.enqueue_dma source(%dma_start3A_74 : memref<48xi32, #tpu.memory_space<hbm>>) target(%arg6 : memref<48xi32, #tpu.memory_space<vmem>>) target_semaphore(%run_scoped3A : memref<!tpu.dma_semaphore, #tpu.memory_space<semaphore_mem>>)
      %dma_wait3A_75 = tpu.memref_slice %arg3[%add3A_6] : memref<6144xi32, #tpu.memory_space<hbm>> -> memref<48xi32, #tpu.memory_space<hbm>>
      %dma_wait3A_76 = tpu.memref_slice %arg3[%add3A_6] : memref<6144xi32, #tpu.memory_space<hbm>> -> memref<48xi32, #tpu.memory_space<hbm>>
      tpu.wait_dma2 semaphore(%run_scoped3A : memref<!tpu.dma_semaphore, #tpu.memory_space<semaphore_mem>>) src(%dma_wait3A_76 : memref<48xi32, #tpu.memory_space<hbm>>) dst(%arg6 : memref<48xi32, #tpu.memory_space<vmem>>)
      tpu.yield
    }) : () -> ()
    %add3A_7 = arith.constant 96 : i32
    %add3A_8 = arith.addi %mul3A_2, %add3A_7 : i32
    "tpu.region"() ({
      %run_scoped3A = tpu.sem_alloc : memref<!tpu.dma_semaphore, #tpu.memory_space<semaphore_mem>>
      %dma_start3A_73 = tpu.memref_slice %arg3[%add3A_8] : memref<6144xi32, #tpu.memory_space<hbm>> -> memref<48xi32, #tpu.memory_space<hbm>>
      %dma_start3A_74 = tpu.memref_slice %arg3[%add3A_8] : memref<6144xi32, #tpu.memory_space<hbm>> -> memref<48xi32, #tpu.memory_space<hbm>>
      tpu.enqueue_dma source(%dma_start3A_74 : memref<48xi32, #tpu.memory_space<hbm>>) target(%arg7 : memref<48xi32, #tpu.memory_space<vmem>>) target_semaphore(%run_scoped3A : memref<!tpu.dma_semaphore, #tpu.memory_space<semaphore_mem>>)
      %dma_wait3A_75 = tpu.memref_slice %arg3[%add3A_8] : memref<6144xi32, #tpu.memory_space<hbm>> -> memref<48xi32, #tpu.memory_space<hbm>>
      %dma_wait3A_76 = tpu.memref_slice %arg3[%add3A_8] : memref<6144xi32, #tpu.memory_space<hbm>> -> memref<48xi32, #tpu.memory_space<hbm>>
      tpu.wait_dma2 semaphore(%run_scoped3A : memref<!tpu.dma_semaphore, #tpu.memory_space<semaphore_mem>>) src(%dma_wait3A_76 : memref<48xi32, #tpu.memory_space<hbm>>) dst(%arg7 : memref<48xi32, #tpu.memory_space<vmem>>)
      tpu.yield
    }) : () -> ()
    %add3A_9 = arith.constant 144 : i32
    %add3A_10 = arith.addi %mul3A_2, %add3A_9 : i32
    "tpu.region"() ({
      %run_scoped3A = tpu.sem_alloc : memref<!tpu.dma_semaphore, #tpu.memory_space<semaphore_mem>>
      %dma_start3A_73 = tpu.memref_slice %arg3[%add3A_10] : memref<6144xi32, #tpu.memory_space<hbm>> -> memref<48xi32, #tpu.memory_space<hbm>>
      %dma_start3A_74 = tpu.memref_slice %arg3[%add3A_10] : memref<6144xi32, #tpu.memory_space<hbm>> -> memref<48xi32, #tpu.memory_space<hbm>>
      tpu.enqueue_dma source(%dma_start3A_74 : memref<48xi32, #tpu.memory_space<hbm>>) target(%arg8 : memref<48xi32, #tpu.memory_space<vmem>>) target_semaphore(%run_scoped3A : memref<!tpu.dma_semaphore, #tpu.memory_space<semaphore_mem>>)
      %dma_wait3A_75 = tpu.memref_slice %arg3[%add3A_10] : memref<6144xi32, #tpu.memory_space<hbm>> -> memref<48xi32, #tpu.memory_space<hbm>>
      %dma_wait3A_76 = tpu.memref_slice %arg3[%add3A_10] : memref<6144xi32, #tpu.memory_space<hbm>> -> memref<48xi32, #tpu.memory_space<hbm>>
      tpu.wait_dma2 semaphore(%run_scoped3A : memref<!tpu.dma_semaphore, #tpu.memory_space<semaphore_mem>>) src(%dma_wait3A_76 : memref<48xi32, #tpu.memory_space<hbm>>) dst(%arg8 : memref<48xi32, #tpu.memory_space<vmem>>)
      tpu.yield
    }) : () -> ()
    %dma_start3A = arith.constant 0 : i32
    %dma_start3A_11 = arith.constant 0 : i32
    %dma_start3A_12 = tpu.memref_slice %arg2[%dma_start3A, %dma_start3A_11] : memref<2048x1024xf32, #tpu.memory_space<hbm>> -> memref<2048x1024xf32, #tpu.memory_space<hbm>>
    tpu.enqueue_indirect_dma source(%dma_start3A_12 : memref<2048x1024xf32, #tpu.memory_space<hbm>>) target(%arg9 : memref<48x1024xf32, #tpu.memory_space<vmem>>) offsets(%arg5 : memref<48xi32, #tpu.memory_space<vmem>>) semaphore(%arg11 : memref<!tpu.dma_semaphore, #tpu.memory_space<semaphore_mem>>)
    %dma_wait3A = arith.constant 0 : i32
    %dma_wait3A_13 = arith.constant 0 : i32
    %dma_wait3A_14 = tpu.memref_slice %arg2[%dma_wait3A, %dma_wait3A_13] : memref<2048x1024xf32, #tpu.memory_space<hbm>> -> memref<2048x1024xf32, #tpu.memory_space<hbm>>
    tpu.wait_indirect_dma semaphore(%arg11 : memref<!tpu.dma_semaphore, #tpu.memory_space<semaphore_mem>>) src(%dma_wait3A_14 : memref<2048x1024xf32, #tpu.memory_space<hbm>>) dst(%arg9 : memref<48x1024xf32, #tpu.memory_space<vmem>>)
    %add3A_15 = arith.constant 0 : i32
    %add3A_16 = arith.addi %mul3A_2, %add3A_15 : i32
    %dma_start3A_17 = arith.constant 0 : i32
    %dma_start3A_18 = tpu.memref_slice %arg4[%add3A_16, %dma_start3A_17] : memref<6144x1024xf32, #tpu.memory_space<hbm>> -> memref<48x1024xf32, #tpu.memory_space<hbm>>
    %dma_start3A_19 = arith.constant 0 : i32
    %dma_start3A_20 = tpu.memref_slice %arg4[%add3A_16, %dma_start3A_19] : memref<6144x1024xf32, #tpu.memory_space<hbm>> -> memref<48x1024xf32, #tpu.memory_space<hbm>>
    tpu.enqueue_dma source(%arg9 : memref<48x1024xf32, #tpu.memory_space<vmem>>) target(%dma_start3A_20 : memref<48x1024xf32, #tpu.memory_space<hbm>>) target_semaphore(%arg12 : memref<!tpu.dma_semaphore, #tpu.memory_space<semaphore_mem>>)
    %dma_start3A_21 = arith.constant 0 : i32
    %dma_start3A_22 = arith.constant 0 : i32
    %dma_start3A_23 = tpu.memref_slice %arg2[%dma_start3A_21, %dma_start3A_22] : memref<2048x1024xf32, #tpu.memory_space<hbm>> -> memref<2048x1024xf32, #tpu.memory_space<hbm>>
    tpu.enqueue_indirect_dma source(%dma_start3A_23 : memref<2048x1024xf32, #tpu.memory_space<hbm>>) target(%arg10 : memref<48x1024xf32, #tpu.memory_space<vmem>>) offsets(%arg6 : memref<48xi32, #tpu.memory_space<vmem>>) semaphore(%arg11 : memref<!tpu.dma_semaphore, #tpu.memory_space<semaphore_mem>>)
    %dma_wait3A_24 = arith.constant 0 : i32
    %dma_wait3A_25 = arith.constant 0 : i32
    %dma_wait3A_26 = tpu.memref_slice %arg2[%dma_wait3A_24, %dma_wait3A_25] : memref<2048x1024xf32, #tpu.memory_space<hbm>> -> memref<2048x1024xf32, #tpu.memory_space<hbm>>
    tpu.wait_indirect_dma semaphore(%arg11 : memref<!tpu.dma_semaphore, #tpu.memory_space<semaphore_mem>>) src(%dma_wait3A_26 : memref<2048x1024xf32, #tpu.memory_space<hbm>>) dst(%arg10 : memref<48x1024xf32, #tpu.memory_space<vmem>>)
    %add3A_27 = arith.constant 48 : i32
    %add3A_28 = arith.addi %mul3A_2, %add3A_27 : i32
    %dma_start3A_29 = arith.constant 0 : i32
    %dma_start3A_30 = tpu.memref_slice %arg4[%add3A_28, %dma_start3A_29] : memref<6144x1024xf32, #tpu.memory_space<hbm>> -> memref<48x1024xf32, #tpu.memory_space<hbm>>
    %dma_start3A_31 = arith.constant 0 : i32
    %dma_start3A_32 = tpu.memref_slice %arg4[%add3A_28, %dma_start3A_31] : memref<6144x1024xf32, #tpu.memory_space<hbm>> -> memref<48x1024xf32, #tpu.memory_space<hbm>>
    tpu.enqueue_dma source(%arg10 : memref<48x1024xf32, #tpu.memory_space<vmem>>) target(%dma_start3A_32 : memref<48x1024xf32, #tpu.memory_space<hbm>>) target_semaphore(%arg13 : memref<!tpu.dma_semaphore, #tpu.memory_space<semaphore_mem>>)
    %dma_wait3A_33 = arith.constant 0 : i32
    %dma_wait3A_34 = tpu.memref_slice %arg4[%add3A_16, %dma_wait3A_33] : memref<6144x1024xf32, #tpu.memory_space<hbm>> -> memref<48x1024xf32, #tpu.memory_space<hbm>>
    %dma_wait3A_35 = arith.constant 0 : i32
    %dma_wait3A_36 = tpu.memref_slice %arg4[%add3A_16, %dma_wait3A_35] : memref<6144x1024xf32, #tpu.memory_space<hbm>> -> memref<48x1024xf32, #tpu.memory_space<hbm>>
    tpu.wait_dma2 semaphore(%arg12 : memref<!tpu.dma_semaphore, #tpu.memory_space<semaphore_mem>>) src(%arg9 : memref<48x1024xf32, #tpu.memory_space<vmem>>) dst(%dma_wait3A_36 : memref<48x1024xf32, #tpu.memory_space<hbm>>)
    %dma_start3A_37 = arith.constant 0 : i32
    %dma_start3A_38 = arith.constant 0 : i32
    %dma_start3A_39 = tpu.memref_slice %arg2[%dma_start3A_37, %dma_start3A_38] : memref<2048x1024xf32, #tpu.memory_space<hbm>> -> memref<2048x1024xf32, #tpu.memory_space<hbm>>
    tpu.enqueue_indirect_dma source(%dma_start3A_39 : memref<2048x1024xf32, #tpu.memory_space<hbm>>) target(%arg9 : memref<48x1024xf32, #tpu.memory_space<vmem>>) offsets(%arg7 : memref<48xi32, #tpu.memory_space<vmem>>) semaphore(%arg11 : memref<!tpu.dma_semaphore, #tpu.memory_space<semaphore_mem>>)
    %dma_wait3A_40 = arith.constant 0 : i32
    %dma_wait3A_41 = arith.constant 0 : i32
    %dma_wait3A_42 = tpu.memref_slice %arg2[%dma_wait3A_40, %dma_wait3A_41] : memref<2048x1024xf32, #tpu.memory_space<hbm>> -> memref<2048x1024xf32, #tpu.memory_space<hbm>>
    tpu.wait_indirect_dma semaphore(%arg11 : memref<!tpu.dma_semaphore, #tpu.memory_space<semaphore_mem>>) src(%dma_wait3A_42 : memref<2048x1024xf32, #tpu.memory_space<hbm>>) dst(%arg9 : memref<48x1024xf32, #tpu.memory_space<vmem>>)
    %add3A_43 = arith.constant 96 : i32
    %add3A_44 = arith.addi %mul3A_2, %add3A_43 : i32
    %dma_start3A_45 = arith.constant 0 : i32
    %dma_start3A_46 = tpu.memref_slice %arg4[%add3A_44, %dma_start3A_45] : memref<6144x1024xf32, #tpu.memory_space<hbm>> -> memref<48x1024xf32, #tpu.memory_space<hbm>>
    %dma_start3A_47 = arith.constant 0 : i32
    %dma_start3A_48 = tpu.memref_slice %arg4[%add3A_44, %dma_start3A_47] : memref<6144x1024xf32, #tpu.memory_space<hbm>> -> memref<48x1024xf32, #tpu.memory_space<hbm>>
    tpu.enqueue_dma source(%arg9 : memref<48x1024xf32, #tpu.memory_space<vmem>>) target(%dma_start3A_48 : memref<48x1024xf32, #tpu.memory_space<hbm>>) target_semaphore(%arg12 : memref<!tpu.dma_semaphore, #tpu.memory_space<semaphore_mem>>)
    %dma_wait3A_49 = arith.constant 0 : i32
    %dma_wait3A_50 = tpu.memref_slice %arg4[%add3A_28, %dma_wait3A_49] : memref<6144x1024xf32, #tpu.memory_space<hbm>> -> memref<48x1024xf32, #tpu.memory_space<hbm>>
    %dma_wait3A_51 = arith.constant 0 : i32
    %dma_wait3A_52 = tpu.memref_slice %arg4[%add3A_28, %dma_wait3A_51] : memref<6144x1024xf32, #tpu.memory_space<hbm>> -> memref<48x1024xf32, #tpu.memory_space<hbm>>
    tpu.wait_dma2 semaphore(%arg13 : memref<!tpu.dma_semaphore, #tpu.memory_space<semaphore_mem>>) src(%arg10 : memref<48x1024xf32, #tpu.memory_space<vmem>>) dst(%dma_wait3A_52 : memref<48x1024xf32, #tpu.memory_space<hbm>>)
    %dma_start3A_53 = arith.constant 0 : i32
    %dma_start3A_54 = arith.constant 0 : i32
    %dma_start3A_55 = tpu.memref_slice %arg2[%dma_start3A_53, %dma_start3A_54] : memref<2048x1024xf32, #tpu.memory_space<hbm>> -> memref<2048x1024xf32, #tpu.memory_space<hbm>>
    tpu.enqueue_indirect_dma source(%dma_start3A_55 : memref<2048x1024xf32, #tpu.memory_space<hbm>>) target(%arg10 : memref<48x1024xf32, #tpu.memory_space<vmem>>) offsets(%arg8 : memref<48xi32, #tpu.memory_space<vmem>>) semaphore(%arg11 : memref<!tpu.dma_semaphore, #tpu.memory_space<semaphore_mem>>)
    %dma_wait3A_56 = arith.constant 0 : i32
    %dma_wait3A_57 = arith.constant 0 : i32
    %dma_wait3A_58 = tpu.memref_slice %arg2[%dma_wait3A_56, %dma_wait3A_57] : memref<2048x1024xf32, #tpu.memory_space<hbm>> -> memref<2048x1024xf32, #tpu.memory_space<hbm>>
    tpu.wait_indirect_dma semaphore(%arg11 : memref<!tpu.dma_semaphore, #tpu.memory_space<semaphore_mem>>) src(%dma_wait3A_58 : memref<2048x1024xf32, #tpu.memory_space<hbm>>) dst(%arg10 : memref<48x1024xf32, #tpu.memory_space<vmem>>)
    %add3A_59 = arith.constant 144 : i32
    %add3A_60 = arith.addi %mul3A_2, %add3A_59 : i32
    %dma_start3A_61 = arith.constant 0 : i32
    %dma_start3A_62 = tpu.memref_slice %arg4[%add3A_60, %dma_start3A_61] : memref<6144x1024xf32, #tpu.memory_space<hbm>> -> memref<48x1024xf32, #tpu.memory_space<hbm>>
    %dma_start3A_63 = arith.constant 0 : i32
    %dma_start3A_64 = tpu.memref_slice %arg4[%add3A_60, %dma_start3A_63] : memref<6144x1024xf32, #tpu.memory_space<hbm>> -> memref<48x1024xf32, #tpu.memory_space<hbm>>
    tpu.enqueue_dma source(%arg10 : memref<48x1024xf32, #tpu.memory_space<vmem>>) target(%dma_start3A_64 : memref<48x1024xf32, #tpu.memory_space<hbm>>) target_semaphore(%arg13 : memref<!tpu.dma_semaphore, #tpu.memory_space<semaphore_mem>>)
    %dma_wait3A_65 = arith.constant 0 : i32
    %dma_wait3A_66 = tpu.memref_slice %arg4[%add3A_44, %dma_wait3A_65] : memref<6144x1024xf32, #tpu.memory_space<hbm>> -> memref<48x1024xf32, #tpu.memory_space<hbm>>
    %dma_wait3A_67 = arith.constant 0 : i32
    %dma_wait3A_68 = tpu.memref_slice %arg4[%add3A_44, %dma_wait3A_67] : memref<6144x1024xf32, #tpu.memory_space<hbm>> -> memref<48x1024xf32, #tpu.memory_space<hbm>>
    tpu.wait_dma2 semaphore(%arg12 : memref<!tpu.dma_semaphore, #tpu.memory_space<semaphore_mem>>) src(%arg9 : memref<48x1024xf32, #tpu.memory_space<vmem>>) dst(%dma_wait3A_68 : memref<48x1024xf32, #tpu.memory_space<hbm>>)
    %dma_wait3A_69 = arith.constant 0 : i32
    %dma_wait3A_70 = tpu.memref_slice %arg4[%add3A_60, %dma_wait3A_69] : memref<6144x1024xf32, #tpu.memory_space<hbm>> -> memref<48x1024xf32, #tpu.memory_space<hbm>>
    %dma_wait3A_71 = arith.constant 0 : i32
    %dma_wait3A_72 = tpu.memref_slice %arg4[%add3A_60, %dma_wait3A_71] : memref<6144x1024xf32, #tpu.memory_space<hbm>> -> memref<48x1024xf32, #tpu.memory_space<hbm>>
    tpu.wait_dma2 semaphore(%arg13 : memref<!tpu.dma_semaphore, #tpu.memory_space<semaphore_mem>>) src(%arg10 : memref<48x1024xf32, #tpu.memory_space<vmem>>) dst(%dma_wait3A_72 : memref<48x1024xf32, #tpu.memory_space<hbm>>)
    return
  }
}

#map = affine_map<(d0, d1) -> (0)>
module attributes {stable_mosaic.version = 14 : i64} {
  func.func @_dispatch_body(%arg0: i32, %arg1: i32, %arg2: memref<4096xi32, #tpu.memory_space<hbm>>, %arg3: memref<4096xf32, #tpu.memory_space<hbm>>, %arg4: memref<6144xi32, #tpu.memory_space<hbm>>, %arg5: memref<6144xf32, #tpu.memory_space<hbm>>, %arg6: memref<4096xi32, #tpu.memory_space<hbm>>, %arg7: memref<16xi32, #tpu.memory_space<hbm>>, %arg8: memref<4096xi32, #tpu.memory_space<vmem>>, %arg9: memref<4096xf32, #tpu.memory_space<vmem>>, %arg10: memref<6144xi32, #tpu.memory_space<vmem>>, %arg11: memref<6144xf32, #tpu.memory_space<vmem>>, %arg12: memref<4096xi32, #tpu.memory_space<vmem>>, %arg13: memref<16xi32, #tpu.memory_space<vmem>>, %arg14: memref<16xi32, #tpu.memory_space<vmem>>) attributes {dimension_semantics = [#tpu.dimension_semantics<core_parallel>, #tpu.dimension_semantics<subcore_parallel>], iteration_bounds = array<i64: 2, 16>, scalar_prefetch = 0 : i64, scratch_operands = 7 : i64, tpu.core_type = #tpu.core_type<sc_vector_subcore>, window_params = [{transform_indices = #map}, {transform_indices = #map}, {transform_indices = #map}, {transform_indices = #map}, {transform_indices = #map}, {transform_indices = #map}]} {
    %mul3A = arith.constant 2 : i32
    %mul3A_0 = arith.muli %arg1, %mul3A : i32
    %add3A = arith.addi %mul3A_0, %arg0 : i32
    %eq3A = arith.constant 0 : i32
    %eq3A_1 = arith.cmpi eq, %add3A, %eq3A : i32
    %convert_element_type3A = arith.extui %eq3A_1 : i1 to i32
    %cond3A = arith.constant 0 : i32
    %cond3A_2 = arith.cmpi ne, %convert_element_type3A, %cond3A : i32
    scf.if %cond3A_2 {
      "tpu.region"() ({
        %run_scoped3A = tpu.sem_alloc : memref<!tpu.dma_semaphore, #tpu.memory_space<semaphore_mem>>
        tpu.enqueue_dma source(%arg2 : memref<4096xi32, #tpu.memory_space<hbm>>) target(%arg8 : memref<4096xi32, #tpu.memory_space<vmem>>) target_semaphore(%run_scoped3A : memref<!tpu.dma_semaphore, #tpu.memory_space<semaphore_mem>>)
        tpu.wait_dma2 semaphore(%run_scoped3A : memref<!tpu.dma_semaphore, #tpu.memory_space<semaphore_mem>>) src(%arg2 : memref<4096xi32, #tpu.memory_space<hbm>>) dst(%arg8 : memref<4096xi32, #tpu.memory_space<vmem>>)
        tpu.yield
      }) : () -> ()
      "tpu.region"() ({
        %run_scoped3A = tpu.sem_alloc : memref<!tpu.dma_semaphore, #tpu.memory_space<semaphore_mem>>
        tpu.enqueue_dma source(%arg3 : memref<4096xf32, #tpu.memory_space<hbm>>) target(%arg9 : memref<4096xf32, #tpu.memory_space<vmem>>) target_semaphore(%run_scoped3A : memref<!tpu.dma_semaphore, #tpu.memory_space<semaphore_mem>>)
        tpu.wait_dma2 semaphore(%run_scoped3A : memref<!tpu.dma_semaphore, #tpu.memory_space<semaphore_mem>>) src(%arg3 : memref<4096xf32, #tpu.memory_space<hbm>>) dst(%arg9 : memref<4096xf32, #tpu.memory_space<vmem>>)
        tpu.yield
      }) : () -> ()
      %broadcast_in_dim3A = arith.constant 0 : i32
      %broadcast_in_dim3A_3 = vector.broadcast %broadcast_in_dim3A : i32 to vector<16xi32>
      %swap3A = arith.constant 0 : index
      %swap3A_4 = tpu.vector_load %arg13[%swap3A] {strides = array<i32>} : memref<16xi32, #tpu.memory_space<vmem>>, vector<16xi32>,
      tpu.vector_store %arg13[%swap3A], %broadcast_in_dim3A_3 {strides = array<i32>} : memref<16xi32, #tpu.memory_space<vmem>>, vector<16xi32>,
      %parallel_loop3A = arith.constant 0 : i32
      %parallel_loop3A_5 = arith.constant 6144 : i32
      %parallel_loop3A_6 = arith.constant 16 : i32
      scf.for %parallel_loop3A_32 = %parallel_loop3A to %parallel_loop3A_5 step %parallel_loop3A_6  : i32 {
        %parallel_loop3A_33 = arith.constant 0 : i32
        %parallel_loop3A_34 = vector.broadcast %parallel_loop3A_33 : i32 to vector<16xi32>
        %parallel_loop3A_35 = arith.index_cast %parallel_loop3A_32 : i32 to index
        %parallel_loop3A_36 = tpu.vector_load %arg10[%parallel_loop3A_35] {strides = array<i32>} : memref<6144xi32, #tpu.memory_space<vmem>>, vector<16xi32>,
        tpu.vector_store %arg10[%parallel_loop3A_35], %parallel_loop3A_34 {strides = array<i32>} : memref<6144xi32, #tpu.memory_space<vmem>>, vector<16xi32>,
        %parallel_loop3A_37 = arith.constant 0.000000e+00 : f32
        %parallel_loop3A_38 = vector.broadcast %parallel_loop3A_37 : f32 to vector<16xf32>
        %parallel_loop3A_39 = arith.index_cast %parallel_loop3A_32 : i32 to index
        %parallel_loop3A_40 = tpu.vector_load %arg11[%parallel_loop3A_39] {strides = array<i32>} : memref<6144xf32, #tpu.memory_space<vmem>>, vector<16xf32>,
        tpu.vector_store %arg11[%parallel_loop3A_39], %parallel_loop3A_38 {strides = array<i32>} : memref<6144xf32, #tpu.memory_space<vmem>>, vector<16xf32>,
      } {sc.loop_unroll_factor = 8 : i64, sc.parallel_access}
      %scan3A = arith.constant 0 : i32
      %scan3A_7 = arith.constant 0 : i32
      %scan3A_8 = arith.constant 256 : i32
      %scan3A_9 = arith.addi %scan3A_7, %scan3A_8 : i32
      %scan3A_10 = arith.constant 1 : i32
      scf.for %scan3A_32 = %scan3A_7 to %scan3A_9 step %scan3A_10  : i32 {
        %mul3A_33 = arith.constant 16 : i32
        %mul3A_34 = arith.muli %scan3A_32, %mul3A_33 : i32
        %get3A_35 = arith.index_cast %mul3A_34 : i32 to index
        %get3A_36 = tpu.vector_load %arg8[%get3A_35] {strides = array<i32>} : memref<4096xi32, #tpu.memory_space<vmem>>, vector<16xi32>,
        %broadcast_in_dim3A_37 = arith.constant true
        %broadcast_in_dim3A_38 = vector.broadcast %broadcast_in_dim3A_37 : i1 to vector<16xi1>
        %unique3A, %unique3A_39 = tpu.scan_count mask(%broadcast_in_dim3A_38 : vector<16xi1>) value(%get3A_36 : vector<16xi32>) : vector<16xi1>, vector<16xi32>
        %gather3A = tpu.vector_load_idx %arg13[%get3A_36] : memref<16xi32, #tpu.memory_space<vmem>>[vector<16xi32>], vector<16xi32>,
        %add3A_40 = arith.addi %gather3A, %unique3A_39 : vector<16xi32>
        tpu.vector_store_idx %arg13[%get3A_36], %add3A_40 masked %unique3A : memref<16xi32, #tpu.memory_space<vmem>>[vector<16xi32>], vector<16xi32>, vector<16xi1>
      }
      %scan3A_11 = arith.constant 256 : i32
      %get3A = arith.constant 0 : index
      %get3A_12 = tpu.vector_load %arg13[%get3A] {strides = array<i32>} : memref<16xi32, #tpu.memory_space<vmem>>, vector<16xi32>,
      %add3A_13 = arith.constant 255 : i32
      %add3A_14 = vector.broadcast %add3A_13 : i32 to vector<16xi32>
      %add3A_15 = arith.addi %get3A_12, %add3A_14 : vector<16xi32>
      %shift_right_arithmetic3A = arith.constant 8 : i32
      %shift_right_arithmetic3A_16 = vector.broadcast %shift_right_arithmetic3A : i32 to vector<16xi32>
      %shift_right_arithmetic3A_17 = arith.shrsi %add3A_15, %shift_right_arithmetic3A_16 : vector<16xi32>
      %shift_left3A = arith.constant 8 : i32
      %shift_left3A_18 = vector.broadcast %shift_left3A : i32 to vector<16xi32>
      %shift_left3A_19 = arith.shli %shift_right_arithmetic3A_17, %shift_left3A_18 : vector<16xi32>
      %broadcast_in_dim3A_20 = arith.constant true
      %broadcast_in_dim3A_21 = vector.broadcast %broadcast_in_dim3A_20 : i1 to vector<16xi1>
      %masked_cumsum3A = tpu.scan <sum>, %shift_left3A_19 masked %broadcast_in_dim3A_21 : vector<16xi32>, vector<16xi1> -> vector<16xi32>
      %swap3A_22 = arith.constant 0 : index
      %swap3A_23 = tpu.vector_load %arg14[%swap3A_22] {strides = array<i32>} : memref<16xi32, #tpu.memory_space<vmem>>, vector<16xi32>,
      tpu.vector_store %arg14[%swap3A_22], %masked_cumsum3A {strides = array<i32>} : memref<16xi32, #tpu.memory_space<vmem>>, vector<16xi32>,
      %sub3A = arith.subi %masked_cumsum3A, %shift_left3A_19 : vector<16xi32>
      %swap3A_24 = arith.constant 0 : index
      %swap3A_25 = tpu.vector_load %arg13[%swap3A_24] {strides = array<i32>} : memref<16xi32, #tpu.memory_space<vmem>>, vector<16xi32>,
      tpu.vector_store %arg13[%swap3A_24], %sub3A {strides = array<i32>} : memref<16xi32, #tpu.memory_space<vmem>>, vector<16xi32>,
      %scan3A_26 = arith.constant 0 : i32
      %scan3A_27 = arith.constant 0 : i32
      %scan3A_28 = arith.constant 256 : i32
      %scan3A_29 = arith.addi %scan3A_27, %scan3A_28 : i32
      %scan3A_30 = arith.constant 1 : i32
      scf.for %scan3A_32 = %scan3A_27 to %scan3A_29 step %scan3A_30  : i32 {
        %mul3A_33 = arith.constant 16 : i32
        %mul3A_34 = arith.muli %scan3A_32, %mul3A_33 : i32
        %get3A_35 = arith.index_cast %mul3A_34 : i32 to index
        %get3A_36 = tpu.vector_load %arg8[%get3A_35] {strides = array<i32>} : memref<4096xi32, #tpu.memory_space<vmem>>, vector<16xi32>,
        %broadcast_in_dim3A_37 = arith.constant true
        %broadcast_in_dim3A_38 = vector.broadcast %broadcast_in_dim3A_37 : i1 to vector<16xi1>
        %unique3A, %unique3A_39 = tpu.scan_count mask(%broadcast_in_dim3A_38 : vector<16xi1>) value(%get3A_36 : vector<16xi32>) : vector<16xi1>, vector<16xi32>
        %gather3A = tpu.vector_load_idx %arg13[%get3A_36] : memref<16xi32, #tpu.memory_space<vmem>>[vector<16xi32>], vector<16xi32>,
        %add3A_40 = arith.addi %gather3A, %unique3A_39 : vector<16xi32>
        %sub3A_41 = arith.constant 1 : i32
        %sub3A_42 = vector.broadcast %sub3A_41 : i32 to vector<16xi32>
        %sub3A_43 = arith.subi %add3A_40, %sub3A_42 : vector<16xi32>
        %add3A_44 = arith.constant 1 : i32
        %add3A_45 = vector.broadcast %add3A_44 : i32 to vector<16xi32>
        %add3A_46 = arith.addi %sub3A_43, %add3A_45 : vector<16xi32>
        tpu.vector_store_idx %arg13[%get3A_36], %add3A_46 masked %unique3A : memref<16xi32, #tpu.memory_space<vmem>>[vector<16xi32>], vector<16xi32>, vector<16xi1>
        %mul3A_47 = arith.constant 16 : i32
        %mul3A_48 = arith.muli %scan3A_32, %mul3A_47 : i32
        %swap3A_49 = arith.index_cast %mul3A_48 : i32 to index
        %swap3A_50 = tpu.vector_load %arg12[%swap3A_49] {strides = array<i32>} : memref<4096xi32, #tpu.memory_space<vmem>>, vector<16xi32>,
        tpu.vector_store %arg12[%swap3A_49], %sub3A_43 {strides = array<i32>} : memref<4096xi32, #tpu.memory_space<vmem>>, vector<16xi32>,
        %mul3A_51 = arith.constant 16 : i32
        %mul3A_52 = arith.muli %scan3A_32, %mul3A_51 : i32
        %iota3A = tpu.iota {dimensions = array<i32: 0>} : vector<16xi32>
        %add3A_53 = vector.broadcast %mul3A_52 : i32 to vector<16xi32>
        %add3A_54 = arith.addi %add3A_53, %iota3A : vector<16xi32>
        %shift_right_arithmetic3A_55 = arith.constant 1 : i32
        %shift_right_arithmetic3A_56 = vector.broadcast %shift_right_arithmetic3A_55 : i32 to vector<16xi32>
        %shift_right_arithmetic3A_57 = arith.shrsi %add3A_54, %shift_right_arithmetic3A_56 : vector<16xi32>
        tpu.vector_store_idx %arg10[%sub3A_43], %shift_right_arithmetic3A_57 : memref<6144xi32, #tpu.memory_space<vmem>>[vector<16xi32>], vector<16xi32>,
        %mul3A_58 = arith.constant 16 : i32
        %mul3A_59 = arith.muli %scan3A_32, %mul3A_58 : i32
        %get3A_60 = arith.index_cast %mul3A_59 : i32 to index
        %get3A_61 = tpu.vector_load %arg9[%get3A_60] {strides = array<i32>} : memref<4096xf32, #tpu.memory_space<vmem>>, vector<16xf32>,
        tpu.vector_store_idx %arg11[%sub3A_43], %get3A_61 : memref<6144xf32, #tpu.memory_space<vmem>>[vector<16xi32>], vector<16xf32>,
      }
      %scan3A_31 = arith.constant 256 : i32
      "tpu.region"() ({
        %run_scoped3A = tpu.sem_alloc : memref<!tpu.dma_semaphore, #tpu.memory_space<semaphore_mem>>
        tpu.enqueue_dma source(%arg10 : memref<6144xi32, #tpu.memory_space<vmem>>) target(%arg4 : memref<6144xi32, #tpu.memory_space<hbm>>) target_semaphore(%run_scoped3A : memref<!tpu.dma_semaphore, #tpu.memory_space<semaphore_mem>>)
        tpu.wait_dma2 semaphore(%run_scoped3A : memref<!tpu.dma_semaphore, #tpu.memory_space<semaphore_mem>>) src(%arg10 : memref<6144xi32, #tpu.memory_space<vmem>>) dst(%arg4 : memref<6144xi32, #tpu.memory_space<hbm>>)
        tpu.yield
      }) : () -> ()
      "tpu.region"() ({
        %run_scoped3A = tpu.sem_alloc : memref<!tpu.dma_semaphore, #tpu.memory_space<semaphore_mem>>
        tpu.enqueue_dma source(%arg11 : memref<6144xf32, #tpu.memory_space<vmem>>) target(%arg5 : memref<6144xf32, #tpu.memory_space<hbm>>) target_semaphore(%run_scoped3A : memref<!tpu.dma_semaphore, #tpu.memory_space<semaphore_mem>>)
        tpu.wait_dma2 semaphore(%run_scoped3A : memref<!tpu.dma_semaphore, #tpu.memory_space<semaphore_mem>>) src(%arg11 : memref<6144xf32, #tpu.memory_space<vmem>>) dst(%arg5 : memref<6144xf32, #tpu.memory_space<hbm>>)
        tpu.yield
      }) : () -> ()
      "tpu.region"() ({
        %run_scoped3A = tpu.sem_alloc : memref<!tpu.dma_semaphore, #tpu.memory_space<semaphore_mem>>
        tpu.enqueue_dma source(%arg12 : memref<4096xi32, #tpu.memory_space<vmem>>) target(%arg6 : memref<4096xi32, #tpu.memory_space<hbm>>) target_semaphore(%run_scoped3A : memref<!tpu.dma_semaphore, #tpu.memory_space<semaphore_mem>>)
        tpu.wait_dma2 semaphore(%run_scoped3A : memref<!tpu.dma_semaphore, #tpu.memory_space<semaphore_mem>>) src(%arg12 : memref<4096xi32, #tpu.memory_space<vmem>>) dst(%arg6 : memref<4096xi32, #tpu.memory_space<hbm>>)
        tpu.yield
      }) : () -> ()
      "tpu.region"() ({
        %run_scoped3A = tpu.sem_alloc : memref<!tpu.dma_semaphore, #tpu.memory_space<semaphore_mem>>
        tpu.enqueue_dma source(%arg14 : memref<16xi32, #tpu.memory_space<vmem>>) target(%arg7 : memref<16xi32, #tpu.memory_space<hbm>>) target_semaphore(%run_scoped3A : memref<!tpu.dma_semaphore, #tpu.memory_space<semaphore_mem>>)
        tpu.wait_dma2 semaphore(%run_scoped3A : memref<!tpu.dma_semaphore, #tpu.memory_space<semaphore_mem>>) src(%arg14 : memref<16xi32, #tpu.memory_space<vmem>>) dst(%arg7 : memref<16xi32, #tpu.memory_space<hbm>>)
        tpu.yield
      }) : () -> ()
    } else {
    }
    return
  }
}

module attributes {stable_mosaic.version = 14 : i64} {
  func.func @_router_kernel(%arg0: memref<2048x1024xf32, #tpu.memory_space<vmem>>, %arg1: memref<8x1024xf32, #tpu.memory_space<vmem>>, %arg2: memref<2x2048xi32, #tpu.memory_space<vmem>>, %arg3: memref<2x2048xf32, #tpu.memory_space<vmem>>) attributes {dimension_semantics = [], scalar_prefetch = 0 : i64, scratch_operands = 0 : i64, tpu.core_type = #tpu.core_type<tc>} {
    %get3A = arith.constant 0 : index
    %get3A_0 = arith.constant 0 : index
    %get3A_1 = vector.load %arg1[%get3A, %get3A_0] : memref<8x1024xf32, #tpu.memory_space<vmem>>, vector<8x1024xf32>
    %get3A_2 = arith.constant 0 : index
    %get3A_3 = arith.constant 0 : index
    %get3A_4 = vector.load %arg0[%get3A_2, %get3A_3] : memref<2048x1024xf32, #tpu.memory_space<vmem>>, vector<2048x1024xf32>
    %dot_general3A = arith.constant dense<0.000000e+00> : vector<8x2048xf32>
    %dot_general3A_5 = tpu.matmul %get3A_1, %get3A_4, %dot_general3A {dimension_numbers = #tpu.dot_dimension_numbers<[1], [1], [0], [0], [0, 0, 1, 0], [], []>, transpose_lhs_hint = false} : vector<8x1024xf32>, vector<2048x1024xf32>, vector<8x2048xf32> -> vector<8x2048xf32>
    %iota3A = tpu.iota {dimensions = array<i32: 0>} : vector<8x2048xi32>
    %reduce_max3A = arith.constant dense<0xFF800000> : vector<2048xf32>
    %reduce_max3A_6 = vector.multi_reduction <maximumf>, %dot_general3A_5, %reduce_max3A [0] : vector<8x2048xf32> to vector<2048xf32>
    %broadcast_in_dim3A = vector.shape_cast %reduce_max3A_6 : vector<2048xf32> to vector<1x2048xf32>
    %eq3A = vector.broadcast %broadcast_in_dim3A : vector<1x2048xf32> to vector<8x2048xf32>
    %eq3A_7 = arith.cmpf oeq, %dot_general3A_5, %eq3A : vector<8x2048xf32>
    %jit3A = arith.constant 8 : i32
    %broadcast_in_dim3A_8 = vector.broadcast %jit3A : i32 to vector<8x2048xi32>
    %select_n3A = arith.select %eq3A_7, %iota3A, %broadcast_in_dim3A_8 : vector<8x2048xi1>, vector<8x2048xi32>
    %reduce_min3A = arith.constant dense<2147483647> : vector<2048xi32>
    %reduce_min3A_9 = vector.multi_reduction <minsi>, %select_n3A, %reduce_min3A [0] : vector<8x2048xi32> to vector<2048xi32>
    %broadcast_in_dim3A_10 = vector.shape_cast %reduce_min3A_9 : vector<2048xi32> to vector<1x2048xi32>
    %eq3A_11 = vector.broadcast %broadcast_in_dim3A_10 : vector<1x2048xi32> to vector<8x2048xi32>
    %eq3A_12 = arith.cmpi eq, %iota3A, %eq3A_11 : vector<8x2048xi32>
    %jit3A_13 = arith.constant 0xFF800000 : f32
    %broadcast_in_dim3A_14 = vector.broadcast %jit3A_13 : f32 to vector<8x2048xf32>
    %select_n3A_15 = arith.select %eq3A_12, %broadcast_in_dim3A_14, %dot_general3A_5 : vector<8x2048xi1>, vector<8x2048xf32>
    %reduce_max3A_16 = arith.constant dense<0xFF800000> : vector<2048xf32>
    %reduce_max3A_17 = vector.multi_reduction <maximumf>, %select_n3A_15, %reduce_max3A_16 [0] : vector<8x2048xf32> to vector<2048xf32>
    %broadcast_in_dim3A_18 = vector.shape_cast %reduce_max3A_17 : vector<2048xf32> to vector<1x2048xf32>
    %eq3A_19 = vector.broadcast %broadcast_in_dim3A_18 : vector<1x2048xf32> to vector<8x2048xf32>
    %eq3A_20 = arith.cmpf oeq, %select_n3A_15, %eq3A_19 : vector<8x2048xf32>
    %jit3A_21 = arith.constant 8 : i32
    %broadcast_in_dim3A_22 = vector.broadcast %jit3A_21 : i32 to vector<8x2048xi32>
    %select_n3A_23 = arith.select %eq3A_20, %iota3A, %broadcast_in_dim3A_22 : vector<8x2048xi1>, vector<8x2048xi32>
    %reduce_min3A_24 = arith.constant dense<2147483647> : vector<2048xi32>
    %reduce_min3A_25 = vector.multi_reduction <minsi>, %select_n3A_23, %reduce_min3A_24 [0] : vector<8x2048xi32> to vector<2048xi32>
    %broadcast_in_dim3A_26 = vector.shape_cast %reduce_min3A_25 : vector<2048xi32> to vector<1x2048xi32>
    %sub3A = arith.subf %broadcast_in_dim3A_18, %broadcast_in_dim3A : vector<1x2048xf32>
    %exp3A = math.exp %sub3A : vector<1x2048xf32>
    %add3A = arith.constant 1.000000e+00 : f32
    %add3A_27 = vector.broadcast %add3A : f32 to vector<1x2048xf32>
    %add3A_28 = arith.addf %add3A_27, %exp3A : vector<1x2048xf32>
    %div3A = arith.constant 1.000000e+00 : f32
    %div3A_29 = vector.broadcast %div3A : f32 to vector<1x2048xf32>
    %div3A_30 = arith.divf %div3A_29, %add3A_28 : vector<1x2048xf32>
    %mul3A = arith.mulf %exp3A, %div3A_30 : vector<1x2048xf32>
    %concatenate3A = tpu.concatenate %broadcast_in_dim3A_10, %broadcast_in_dim3A_26 in 0 : vector<1x2048xi32>, vector<1x2048xi32> -> vector<2x2048xi32>
    %swap3A = arith.constant 0 : index
    %swap3A_31 = arith.constant 0 : index
    %swap3A_32 = vector.load %arg2[%swap3A, %swap3A_31] : memref<2x2048xi32, #tpu.memory_space<vmem>>, vector<2x2048xi32>
    tpu.vector_store %arg2[%swap3A, %swap3A_31], %concatenate3A {strides = array<i32>} : memref<2x2048xi32, #tpu.memory_space<vmem>>, vector<2x2048xi32>,
    %concatenate3A_33 = tpu.concatenate %div3A_30, %mul3A in 0 : vector<1x2048xf32>, vector<1x2048xf32> -> vector<2x2048xf32>
    %swap3A_34 = arith.constant 0 : index
    %swap3A_35 = arith.constant 0 : index
    %swap3A_36 = vector.load %arg3[%swap3A_34, %swap3A_35] : memref<2x2048xf32, #tpu.memory_space<vmem>>, vector<2x2048xf32>
    tpu.vector_store %arg3[%swap3A_34, %swap3A_35], %concatenate3A_33 {strides = array<i32>} : memref<2x2048xf32, #tpu.memory_space<vmem>>, vector<2x2048xf32>,
    return
  }
}

module attributes {stable_mosaic.version = 14 : i64} {
  func.func @_ffn_kernel(%arg0: i32, %arg1: memref<24xi32, #tpu.memory_space<smem>>, %arg2: memref<256x1024xf32, #tpu.memory_space<vmem>>, %arg3: memref<1x1024x1024xf32, #tpu.memory_space<vmem>>, %arg4: memref<1x1024x1024xf32, #tpu.memory_space<vmem>>, %arg5: memref<256x1xf32, #tpu.memory_space<vmem>>, %arg6: memref<256x1024xf32, #tpu.memory_space<vmem>>, %arg7: memref<1024x1024xbf16, #tpu.memory_space<vmem>>, %arg8: memref<1024x1024xbf16, #tpu.memory_space<vmem>>) attributes {dimension_semantics = [#tpu.dimension_semantics<arbitrary>], iteration_bounds = array<i64: 24>, scalar_prefetch = 1 : i64, scratch_operands = 2 : i64, tpu.core_type = #tpu.core_type<tc>, window_params = [{transform_indices = @transform_0, window_bounds = array<i64: 256, 1024>}, {transform_indices = @transform_1, window_bounds = array<i64: 1, 1024, 1024>}, {transform_indices = @transform_2, window_bounds = array<i64: 1, 1024, 1024>}, {transform_indices = @transform_3, window_bounds = array<i64: 256, 1>}, {transform_indices = @transform_4, window_bounds = array<i64: 256, 1024>}]} {
    %get3A = arith.index_cast %arg0 : i32 to index
    %get3A_0 = memref.load %arg1[%get3A] : memref<24xi32, #tpu.memory_space<smem>>
    %sub3A = arith.constant 1 : i32
    %sub3A_1 = arith.subi %arg0, %sub3A : i32
    %max3A = arith.constant 0 : i32
    %max3A_2 = arith.maxsi %sub3A_1, %max3A : i32
    %get3A_3 = arith.index_cast %max3A_2 : i32 to index
    %get3A_4 = memref.load %arg1[%get3A_3] : memref<24xi32, #tpu.memory_space<smem>>
    %eq3A = arith.constant 0 : i32
    %eq3A_5 = arith.cmpi eq, %arg0, %eq3A : i32
    %ne3A = arith.cmpi ne, %get3A_0, %get3A_4 : i32
    %or3A = arith.ori %eq3A_5, %ne3A : i1
    %convert_element_type3A = arith.extui %or3A : i1 to i32
    %cond3A = arith.constant 0 : i32
    %cond3A_6 = arith.cmpi ne, %convert_element_type3A, %cond3A : i32
    scf.if %cond3A_6 {
      %get3A_42 = arith.constant 0 : index
      %get3A_43 = arith.constant 0 : index
      %get3A_44 = arith.constant 0 : index
      %get3A_45 = vector.load %arg3[%get3A_42, %get3A_43, %get3A_44] : memref<1x1024x1024xf32, #tpu.memory_space<vmem>>, vector<1x1024x1024xf32>
      %get3A_46 = vector.shape_cast %get3A_45 : vector<1x1024x1024xf32> to vector<1024x1024xf32>
      %convert_element_type3A_47 = arith.truncf %get3A_46 : vector<1024x1024xf32> to vector<1024x1024xbf16>
      %swap3A_48 = arith.constant 0 : index
      %swap3A_49 = arith.constant 0 : index
      %swap3A_50 = vector.load %arg7[%swap3A_48, %swap3A_49] : memref<1024x1024xbf16, #tpu.memory_space<vmem>>, vector<1024x1024xbf16>
      tpu.vector_store %arg7[%swap3A_48, %swap3A_49], %convert_element_type3A_47 {strides = array<i32>} : memref<1024x1024xbf16, #tpu.memory_space<vmem>>, vector<1024x1024xbf16>,
      %get3A_51 = arith.constant 0 : index
      %get3A_52 = arith.constant 0 : index
      %get3A_53 = arith.constant 0 : index
      %get3A_54 = vector.load %arg4[%get3A_51, %get3A_52, %get3A_53] : memref<1x1024x1024xf32, #tpu.memory_space<vmem>>, vector<1x1024x1024xf32>
      %get3A_55 = vector.shape_cast %get3A_54 : vector<1x1024x1024xf32> to vector<1024x1024xf32>
      %convert_element_type3A_56 = arith.truncf %get3A_55 : vector<1024x1024xf32> to vector<1024x1024xbf16>
      %swap3A_57 = arith.constant 0 : index
      %swap3A_58 = arith.constant 0 : index
      %swap3A_59 = vector.load %arg8[%swap3A_57, %swap3A_58] : memref<1024x1024xbf16, #tpu.memory_space<vmem>>, vector<1024x1024xbf16>
      tpu.vector_store %arg8[%swap3A_57, %swap3A_58], %convert_element_type3A_56 {strides = array<i32>} : memref<1024x1024xbf16, #tpu.memory_space<vmem>>, vector<1024x1024xbf16>,
    } else {
    }
    %get3A_7 = arith.constant 0 : index
    %get3A_8 = arith.constant 0 : index
    %get3A_9 = vector.load %arg2[%get3A_7, %get3A_8] : memref<256x1024xf32, #tpu.memory_space<vmem>>, vector<256x1024xf32>
    %convert_element_type3A_10 = arith.truncf %get3A_9 : vector<256x1024xf32> to vector<256x1024xbf16>
    %get3A_11 = arith.constant 0 : index
    %get3A_12 = arith.constant 0 : index
    %get3A_13 = vector.load %arg7[%get3A_11, %get3A_12] : memref<1024x1024xbf16, #tpu.memory_space<vmem>>, vector<1024x1024xbf16>
    %dot_general3A = arith.constant dense<0.000000e+00> : vector<256x1024xf32>
    %dot_general3A_14 = tpu.matmul %convert_element_type3A_10, %get3A_13, %dot_general3A {dimension_numbers = #tpu.dot_dimension_numbers<[1], [0], [0], [1], [0, 0, 1, 1], [], []>, transpose_lhs_hint = false} : vector<256x1024xbf16>, vector<1024x1024xbf16>, vector<256x1024xf32> -> vector<256x1024xf32>
    %mul3A = arith.constant 5.000000e-01 : f32
    %mul3A_15 = vector.broadcast %mul3A : f32 to vector<256x1024xf32>
    %mul3A_16 = arith.mulf %mul3A_15, %dot_general3A_14 : vector<256x1024xf32>
    %mul3A_17 = arith.constant 4.471500e-02 : f32
    %mul3A_18 = vector.broadcast %mul3A_17 : f32 to vector<256x1024xf32>
    %mul3A_19 = arith.mulf %mul3A_18, %dot_general3A_14 : vector<256x1024xf32>
    %mul3A_20 = arith.mulf %mul3A_19, %dot_general3A_14 : vector<256x1024xf32>
    %mul3A_21 = arith.mulf %mul3A_20, %dot_general3A_14 : vector<256x1024xf32>
    %add3A = arith.addf %dot_general3A_14, %mul3A_21 : vector<256x1024xf32>
    %mul3A_22 = arith.constant 0.797884583 : f32
    %mul3A_23 = vector.broadcast %mul3A_22 : f32 to vector<256x1024xf32>
    %mul3A_24 = arith.mulf %mul3A_23, %add3A : vector<256x1024xf32>
    %tanh3A = math.tanh %mul3A_24 : vector<256x1024xf32>
    %add3A_25 = arith.constant 1.000000e+00 : f32
    %add3A_26 = vector.broadcast %add3A_25 : f32 to vector<256x1024xf32>
    %add3A_27 = arith.addf %add3A_26, %tanh3A : vector<256x1024xf32>
    %mul3A_28 = arith.mulf %mul3A_16, %add3A_27 : vector<256x1024xf32>
    %convert_element_type3A_29 = arith.truncf %mul3A_28 : vector<256x1024xf32> to vector<256x1024xbf16>
    %get3A_30 = arith.constant 0 : index
    %get3A_31 = arith.constant 0 : index
    %get3A_32 = vector.load %arg8[%get3A_30, %get3A_31] : memref<1024x1024xbf16, #tpu.memory_space<vmem>>, vector<1024x1024xbf16>
    %dot_general3A_33 = arith.constant dense<0.000000e+00> : vector<256x1024xf32>
    %dot_general3A_34 = tpu.matmul %convert_element_type3A_29, %get3A_32, %dot_general3A_33 {dimension_numbers = #tpu.dot_dimension_numbers<[1], [0], [0], [1], [0, 0, 1, 1], [], []>, transpose_lhs_hint = false} : vector<256x1024xbf16>, vector<1024x1024xbf16>, vector<256x1024xf32> -> vector<256x1024xf32>
    %get3A_35 = arith.constant 0 : index
    %get3A_36 = arith.constant 0 : index
    %get3A_37 = vector.load %arg5[%get3A_35, %get3A_36] : memref<256x1xf32, #tpu.memory_space<vmem>>, vector<256x1xf32>
    %mul3A_38 = vector.broadcast %get3A_37 : vector<256x1xf32> to vector<256x1024xf32>
    %mul3A_39 = arith.mulf %dot_general3A_34, %mul3A_38 : vector<256x1024xf32>
    %swap3A = arith.constant 0 : index
    %swap3A_40 = arith.constant 0 : index
    %swap3A_41 = vector.load %arg6[%swap3A, %swap3A_40] : memref<256x1024xf32, #tpu.memory_space<vmem>>, vector<256x1024xf32>
    tpu.vector_store %arg6[%swap3A, %swap3A_40], %mul3A_39 {strides = array<i32>} : memref<256x1024xf32, #tpu.memory_space<vmem>>, vector<256x1024xf32>,
    return
  }
  func.func @transform_0(%arg0: i32, %arg1: memref<24xi32, #tpu.memory_space<smem>>) -> (i32, i32) {
    %c0_i32 = arith.constant 0 : i32
    %c0_i32_0 = arith.constant 0 : i32
    return %arg0, %c0_i32 : i32, i32
  }
  func.func @transform_1(%arg0: i32, %arg1: memref<24xi32, #tpu.memory_space<smem>>) -> (i32, i32, i32) {
    %get3A = arith.index_cast %arg0 : i32 to index
    %get3A_0 = memref.load %arg1[%get3A] : memref<24xi32, #tpu.memory_space<smem>>
    %c0_i32 = arith.constant 0 : i32
    %c0_i32_1 = arith.constant 0 : i32
    %c0_i32_2 = arith.constant 0 : i32
    return %get3A_0, %c0_i32, %c0_i32_1 : i32, i32, i32
  }
  func.func @transform_2(%arg0: i32, %arg1: memref<24xi32, #tpu.memory_space<smem>>) -> (i32, i32, i32) {
    %get3A = arith.index_cast %arg0 : i32 to index
    %get3A_0 = memref.load %arg1[%get3A] : memref<24xi32, #tpu.memory_space<smem>>
    %c0_i32 = arith.constant 0 : i32
    %c0_i32_1 = arith.constant 0 : i32
    %c0_i32_2 = arith.constant 0 : i32
    return %get3A_0, %c0_i32, %c0_i32_1 : i32, i32, i32
  }
  func.func @transform_3(%arg0: i32, %arg1: memref<24xi32, #tpu.memory_space<smem>>) -> (i32, i32) {
    %c0_i32 = arith.constant 0 : i32
    %c0_i32_0 = arith.constant 0 : i32
    return %arg0, %c0_i32 : i32, i32
  }
  func.func @transform_4(%arg0: i32, %arg1: memref<24xi32, #tpu.memory_space<smem>>) -> (i32, i32) {
    %c0_i32 = arith.constant 0 : i32
    %c0_i32_0 = arith.constant 0 : i32
    return %arg0, %c0_i32 : i32, i32
  }
}

</mosaic_0001>

<sc_bundles>
// kernel: kernel.10.cloned.1.call-start
scs
__scs_entry_jumppad:
0x0: {  	(pc) =	sbr.rel $0x88, $3  }
0x1: {  	(tag) =	ssettag $0x0;
	lr =	simm.s32 $0x1  }
0x2: {  	[smem:$0x3F9D] =	sst lr;
	_ =	strace $0xD0000000  }
0x3: {  	_ = 	snop  }
0x4: {  	_ = 	snop  }
0x5: {  	_ = 	snop  }
0x6: {  	_ = 	snop  }
0x7: {  	_ = 	snop  }
__scs_overlays_trampoline_lowered:
0x8: {  	[smem:$0x3FAC] =	sst s0  }
0x9: {  	[smem:$0x3FAD] =	sst s1  }
0xa: {  	[smem:$0x3FAE] =	sst s2  }
0xb: {  	[smem:$0x3FAF] =	sst s3  }
0xc: {  	[smem:$0x3FB0] =	sst s4  }
0xd: {  	[smem:$0x3FB1] =	sst s5  }
0xe: {  	[smem:$0x3FB2] =	sst s6  }
0xf: {  	[smem:$0x3FB3] =	sst s7  }
0x10: {  	[smem:$0x3FB4] =	sst s8  }
0x11: {  	[smem:$0x3FB5] =	sst s9;
	s0 =	simm.s32 @!p0 $0x0  }
0x12: {  	s1 =	sld [smem:$0x3F9B];
	s0 =	simm.s32 @p0 $0x1  }
0x13: {  	[smem:$0x3FB6] =	sst s0;
	s0 =	simm.s32 @!p1 $0x0  }
0x14: {  	s2 =	sld [smem:$0x3F9A];
	s0 =	simm.s32 @p1 $0x1  }
0x15: {  	[smem:$0x3FB7] =	sst s0;
	s0 =	simm.s32 @!p2 $0x0  }
0x16: {  	s3 =	sld [smem:$0x3FDB];
	s0 =	simm.s32 @p2 $0x1  }
0x17: {  	s4 =	simm.s32 $0x1BF5;
	[smem:$0x3FB9] =	sst s0  }
0x18: {  	s0 =	sld [smem:$0x3F9C];
	_ =	swait.ge [sflag:s4], $0x0  }
0x19: {  	s7 =	sld [smem:$0x3F9D]  }
0x1a: {  	s8 =	sadd.s32 $0xFFFFE003, lr  }
0x1b: {  	s9 =	sadd.s32 $0xFFFFFEF7, lr;
	s5 =	simm.s32 $0xFFFFFFFF;
	p2 =	slt.u32 s8, $0xFFFFF086  }
0x1c: {  	p1 =	slt.u32 s9, $0xF7A;
	s5 =	simm.s32 @!p2 $0x0  }
0x1d: {  	s5 =	simm.s32 @p1 $0x1;
	p0 =	seq.s32 s7, s2  }
0x1e: {  	s7 =	smul.u32 @!p0 $0xF7A, s2;
	p2 =	seq.s32 @!p0 s5, $0x0  }
0x1f: {  	s9 =	smul.u32 $0xF7A, s1;
	s8 =	simm.s32 @!p0 $0x1BF5;
	p2 =	por !p2, p0  }
0x20: {  	[sflag:s8] =	ssyncset.s32 @!p0 $0xFFFFF086;
	s6 =	sadd.s32 @!p0 s3, s7;
	s7 =	simm.s32 @!p0 $0x108  }
0x21: {  	s3 =	sadd.s32 s3, s9;
	s6 =	sadd.s32 @!p0 $0x88, s6;
	s7 =	simm.s32 @p2 $0x1082  }
0x22: {  	[simem:s7], [sflag:s8] =	dma.local @!p0 [hbm:s6], $0xF7A  }
0x23: {  	s9 =	sor.u32 $0xD0000000, s2;
	s6 =	simm.s32 $0x108;
	_ =	swait.ge @!p0 [sflag:s8], $0x0  }
0x24: {  	s3 =	sadd.s32 $0x88, s3;
	s6 =	simm.s32 @!p1 $0x1082;
	[sflag:s4] =	ssyncset.s32 $0xFFFFF086  }
0x25: {  	[simem:s6], [sflag:s4] =	dma.local [hbm:s3], $0xF7A  }
0x26: {  	[smem:$0x3F9D] =	sst s1;
	(tag) =	ssettag s2;
	_ =	strace s9  }
0x27: {  	s1 =	sld [smem:$0x3FAD]  }
0x28: {  	s2 =	sld [smem:$0x3FAE]  }
0x29: {  	s4 =	sld [smem:$0x3FB0]  }
0x2a: {  	p0 =	seq.s32 s5, $0x0;
	s5 =	sld [smem:$0x3FB1]  }
0x2b: {  	s6 =	sld [smem:$0x3FB2]  }
0x2c: {  	s7 =	sld [smem:$0x3FB3]  }
0x2d: {  	s3 =	simm.s32 $0x108;
	s8 =	sld [smem:$0x3FB4]  }
0x2e: {  	s3 =	simm.s32 @!p0 $0x1082;
	s9 =	sld [smem:$0x3FB5]  }
0x2f: {  	lr =	sadd.s32 s0, s3;
	s0 =	sld [smem:$0x3FAC]  }
0x30: {  	s3 =	sld [smem:$0x3FAF]  }
0x31: {  	[smem:$0x3FB8] =	sst s10  }
0x32: {  	s10 =	sld [smem:$0x3FB6];
	_ =	sdelay $0x3  }
0x33: {  	p0 =	seq.s32 s10, $0x1;
	s10 =	sld [smem:$0x3FB8];
	_ =	sdelay $0x3  }
0x34: {  	[smem:$0x3FB8] =	sst s10  }
0x35: {  	s10 =	sld [smem:$0x3FB7];
	_ =	sdelay $0x3  }
0x36: {  	p1 =	seq.s32 s10, $0x1;
	s10 =	sld [smem:$0x3FB8];
	_ =	sdelay $0x3  }
0x37: {  	[smem:$0x3FB8] =	sst s10  }
0x38: {  	s10 =	sld [smem:$0x3FB9]  }
0x39: {  	_ = 	snop;
	(pc) =	sbr.ind lr, $3  }
0x3a: {  	_ = 	snop  }
0x3b: {  	_ = 	snop  }
0x3c: {  	p2 =	seq.s32 s10, $0x1;
	s10 =	sld [smem:$0x3FB8]  }
0x3d: {  	_ =	shalt  }
0x3e: {  	_ =	shalt  }
0x3f: {  	_ =	shalt  }
0x40: {  	_ =	shalt  }
0x41: {  	_ =	shalt  }
0x42: {  	_ =	shalt  }
0x43: {  	_ =	shalt  }
0x44: {  	_ =	shalt  }
0x45: {  	_ =	shalt  }
0x46: {  	_ =	shalt  }
0x47: {  	_ =	shalt  }
0x48: {  	_ =	shalt  }
0x49: {  	_ =	shalt  }
0x4a: {  	_ =	shalt  }
0x4b: {  	_ =	shalt  }
0x4c: {  	_ =	shalt  }
0x4d: {  	_ =	shalt  }
0x4e: {  	_ =	shalt  }
0x4f: {  	_ =	shalt  }
0x50: {  	_ =	shalt  }
0x51: {  	_ =	shalt  }
0x52: {  	_ =	shalt  }
0x53: {  	_ =	shalt  }
0x54: {  	_ =	shalt  }
0x55: {  	_ =	shalt  }
0x56: {  	_ =	shalt  }
0x57: {  	_ =	shalt  }
0x58: {  	_ =	shalt  }
0x59: {  	_ =	shalt  }
0x5a: {  	_ =	shalt  }
0x5b: {  	_ =	shalt  }
0x5c: {  	_ =	shalt  }
0x5d: {  	_ =	shalt  }
0x5e: {  	_ =	shalt  }
0x5f: {  	_ =	shalt  }
0x60: {  	_ =	shalt  }
0x61: {  	_ =	shalt  }
0x62: {  	_ =	shalt  }
0x63: {  	_ =	shalt  }
0x64: {  	_ =	shalt  }
0x65: {  	_ =	shalt  }
0x66: {  	_ =	shalt  }
0x67: {  	_ =	shalt  }
0x68: {  	_ =	shalt  }
0x69: {  	_ =	shalt  }
0x6a: {  	_ =	shalt  }
0x6b: {  	_ =	shalt  }
0x6c: {  	_ =	shalt  }
0x6d: {  	_ =	shalt  }
0x6e: {  	_ =	shalt  }
0x6f: {  	_ =	shalt  }
0x70: {  	_ =	shalt  }
0x71: {  	_ =	shalt  }
0x72: {  	_ =	shalt  }
0x73: {  	_ =	shalt  }
0x74: {  	_ =	shalt  }
0x75: {  	_ =	shalt  }
0x76: {  	_ =	shalt  }
0x77: {  	_ =	shalt  }
0x78: {  	_ =	shalt  }
0x79: {  	_ =	shalt  }
0x7a: {  	_ =	shalt  }
0x7b: {  	_ =	shalt  }
0x7c: {  	_ =	shalt  }
0x7d: {  	_ =	shalt  }
0x7e: {  	_ =	shalt  }
0x7f: {  	_ =	shalt  }
0x80: {  	_ =	shalt  }
0x81: {  	_ =	shalt  }
0x82: {  	_ =	shalt  }
0x83: {  	_ =	shalt  }
0x84: {  	_ =	shalt  }
0x85: {  	_ =	shalt  }
0x86: {  	_ =	shalt  }
0x87: {  	_ =	shalt  }
.Lfunc_end0:
.L_simem_size_0:
called_computation.1_lowered:
.L_overlay_start_0:
0x88: {  	s2 =	sld [smem:$0x3FD9]  }
0x89: {  	s3 =	sld [smem:$0x3FFE];
	_ =	sdelay $0x1  }
0x8a: {  	s1 =	srdreg.scid  }
0x8b: {  	s0 =	sand.u32 $0x1, s1  }
0x8c: {  	s17 =	sshll.u32 s0, $0xA;
	s2 =	sadd.s32 s3, s2  }
0x8d: {  	s2 =	sadd.s32 s2, s17  }
0x8e: {  	[smem:$0x3FC4] =	sst s2  }
0x8f: {  	_ = 	snop  }
0x90: {  	s2 =	sld [smem:$0x3FC9]  }
0x91: {  	s18 =	sld [smem:$0x3FD0];
	(tm) =	ssettm $0x1  }
0x92: {  	s4 =	sld [smem:$0x3FFB];
	_ =	sdelay $0x3  }
0x93: {  	_ =	strace s4  }
0x94: {  	s4 =	sld [smem:$0x3FFC];
	_ =	sdelay $0x3  }
0x95: {  	_ =	strace s4  }
0x96: {  	s4 =	sld [smem:$0x3FFD];
	_ =	sdelay $0x3  }
0x97: {  	_ =	strace s4  }
0x98: {  	_ =	strace $0x8FFFFFFF  }
0x99: {  	s19 =	sld [smem:$0x3FDB];
	_ =	sdelay $0x1  }
0x9a: {  	s5 =	simm.s32 $_scs_section_size  }
0x9b: {  	s6 =	simm.s32 $_size__tile_overlayer_lowered;
	s7 =	simm.s32 $_tile_overlayer_lowered  }
0x9c: {  	s22 =	simm.s32 $0x1BFF;
	s21 =	sshll.u32 s7, $0x1;
	s4 =	sadd.s32 s5, s19  }
0x9d: {  	s8 =	simm.s32 $0x0;
	s20 =	sshll.u32 s6, $0x1;
	s6 =	sadd.s32 s21, s4  }
0x9e: {  	[timem:s8], [sflag:s22] =	dma.local [hbm:s6], s20  }
0x9f: {  	_ =	swait.ge [sflag:s22], s20  }
0xa0: {  	s5 =	ssub.s32 $0x0, s20;
	[sflag:s22] =	ssyncset.done $0x0  }
0xa1: {  	[sflag:s22] =	ssyncadd.s32 s5;
	_ =	sdelay $0x1  }
0xa2: {  	s23 =	simm.s32 $0x1B8B  }
0xa3: {  	_ =	swait.ge [sflag:s23], $0x1  }
0xa4: {  	[sflag:s23] =	ssyncset.done $0x0  }
0xa5: {  	s25 =	simm.s32 $0x1B8E;
	s24 =	sld [smem:$0x3FFE];
	[sflag:s23] =	ssyncadd.s32 $0xFFFFFFFF  }
0xa6: {  	s26 =	simm.s32 $execute0_lowered;
	[smem:$0x3FD2] =	sst s25  }
0xa7: {  	s6 =	sshll.u32 s26, $0x1;
	_ =	strace $0x80000049;
	[dreg:$0x1] =	wrdreg $0xFFFFFFFF  }
0xa8: {  	s28 =	simm.s32 $_size_execute0_lowered;
	s4 =	sadd.s32 s4, s6;
	[dreg:$0x0] =	wrdreg $0x0  }
0xa9: {  	s6 =	sshll.u32 s28, $0x1;
	[dreg:$0x2] =	wrdreg s4  }
0xaa: {  	[dreg:$0x3] =	wrdreg s6  }
0xab: {  	[dreg:$0x4] =	wrdreg $0xC0  }
0xac: {  	_ =	task [dreg:s8], $0x5FFFF  }
0xad: {  	[dreg:$0x1] =	wrdreg $0xFFFFFFFF  }
0xae: {  	[dreg:$0x0] =	wrdreg $0x60  }
0xaf: {  	[dreg:$0x2] =	wrdreg s2  }
0xb0: {  	[dreg:$0x3] =	wrdreg s18  }
0xb1: {  	[dreg:$0x4] =	wrdreg s24  }
0xb2: {  	[dreg:$0x5] =	wrdreg $0x9  }
0xb3: {  	_ =	task.clear_ibuf [dreg:s8], $0x6FFFF;
	_ =	strace $0x90000049  }
0xb4: {  	s29 =	simm.s32 $0x9;
	_ =	strace $0x8000004B  }
0xb5: {  	_ =	swait.ge [sflag:s29], $0x1  }
0xb6: {  	[sflag:s29] =	ssyncadd.s32 $0xFFFFFFFF  }
0xb7: {  	_ =	strace $0x9000004B  }
0xb8: {  	_ =	sfence  }
0xb9: {  	s30 =	sld [smem:$0x0];
	_ =	sdelay $0x2  }
0xba: {  	s31 =	sshll.u32 s1, $0xD;
	s1 =	sshrl.u32 s1, $0x2  }
0xbb: {  	s3 =	sand.u32 $0x4000, s31;
	s1 =	sadd.s32 s1, s30  }
0xbc: {  	s0 =	sor.u32 s3, s0;
	s1 =	sshll.u32 s1, $0x11  }
0xbd: {  	s0 =	sor.u32 s1, s0  }
0xbe: {  	s0 =	sadd.s32 $0x8F2B, s0  }
0xbf: {  	[sflag:s0] =	ssyncadd.remote.s32 $0x1  }
0xc0: {  	_ =	sfence.sel $0xFFFF  }
0xc1: {  	[dreg:$0x0] =	wrdreg $0xFFFFFFFF;
	(pc) =	sbr.abs _section_cstart, $3  }
0xc2: {  	[dreg:$0x1] =	wrdreg $0xFFFFFFFF  }
0xc3: {  	_ =	task.clear_ibuf [dreg:s8], $0x2FFFF;
	_ =	strace $0x9FFFFFFF  }
0xc4: {  	(tm) =	ssettm $0x7FFFFFFF  }
0xc5: {  	_ =	shalt  }
tec
execute0_lowered:
.L_overlay_start_1:
0x0: {  	(tag) =	ssettag $0x1  }
0x1: {  	s1 =	rddreg [dreg:$0x0]  }
0x2: {  	s0 =	rddreg [dreg:$0x1]  }
0x3: {  	s2 =	srdreg.scid;
	s3 =	stileid.u32  }
0x4: {  	s4 =	rddreg [dreg:$0x2];
	s24 =	simm.s32 $0x80;
	s25 =	simm.s32 $0x100  }
0x5: {  	s26 =	simm.s32 $0x180;
	s28 =	simm.s32 $0x5A00;
	s29 =	simm.s32 $0x6200  }
0x6: {  	s30 =	simm.s32 $0x6A00;
	s31 =	simm.s32 $0x7200;
	s12 =	simm.s32 $0x8A00  }
0x7: {  	s13 =	simm.s32 $0x9200;
	s5 =	sshll.u32 s3, $0x1;
	s3 =	simm.s32 $0x0  }
0x8: {  	s2 =	sand.u32 $0x1, s2;
	s4 =	sadd.s32 $0x1A00, s4;
	[smem:$0x7FF] =	sst s3  }
0x9: {  	s5 =	sor.u32 s2, s5;
	_ =	strace $0x8000004A;
	[dreg:$0xc] =	wrdreg s24  }
0xa: {  	s2 =	ssub.s32 $0x2, s2;
	s6 =	smul.u32 $0xC0, s5;
	[dreg:$0xd] =	wrdreg s25  }
0xb: {  	s5 =	smul.u32 $0x6000, s5;
	s11 =	sshrl.u32 s2, $0x1;
	[dreg:$0xe] =	wrdreg s26  }
0xc: {  	s24 =	simm.s32 $0x4200;
	s25 =	simm.s32 $0x4A00;
	s26 =	simm.s32 $0x5200  }
0xd: {  	s2 =	ssub.s32 s2, s11;
	s7 =	sshrl.u32 s6, $0x3;
	s8 =	sor.u32 $0x30, s6  }
0xe: {  	s15 =	sadd.s32 $0x60, s6;
	s6 =	sadd.s32 $0x90, s6;
	s17 =	sadd.s32 s4, s5  }
0xf: {  	s5 =	sadd.s32 $0x200, s1;
	s7 =	sadd.s32 s0, s7;
	s9 =	sshrl.u32 s8, $0x3  }
0x10: {  	s16 =	sshrl.u32 s15, $0x3;
	s10 =	sshrl.u32 s6, $0x3;
	s18 =	sshll.u32 s8, $0x7  }
0x11: {  	[dreg:$0x8] =	wrdreg s17;
	s20 =	sshll.u32 s15, $0x7;
	s22 =	sshll.u32 s6, $0x7  }
0x12: {  	s6 =	sadd.s32 $0x300, s1;
	[dreg:$0x4] =	wrdreg s7;
	s14 =	sadd.s32 s0, s9  }
0x13: {  	s8 =	simm.s32 $0x4;
	s7 =	sadd.s32 s0, s16;
	[dreg:$0x5] =	wrdreg s14  }
0x14: {  	s15 =	simm.s32 $0xAA00;
	s0 =	sadd.s32 s0, s10;
	[dreg:$0x6] =	wrdreg s7  }
0x15: {  	s19 =	sadd.s32 s4, s18;
	s21 =	sadd.s32 s4, s20;
	[dreg:$0x7] =	wrdreg s0  }
0x16: {  	s23 =	sadd.s32 s4, s22;
	s4 =	sadd.s32 $0x100, s1;
	[dreg:$0x9] =	wrdreg s19  }
0x17: {  	s10 =	simm.s32 $0x1;
	s18 =	simm.s32 $0x1200;
	[dreg:$0xa] =	wrdreg s21  }
0x18: {  	v2 =	vlaneseq.u32;
	s20 =	simm.s32 $0x2200;
	s22 =	simm.s32 $0x3200;
	[dreg:$0xb] =	wrdreg s23  }
0x19: {  	vm0 =	vmmov $0xffff;
	v1 =	vshrl.u32 v2, $0x3;
	s7 =	smax.u32 s2, $0x1;
	s19 =	simm.s32 $0x1A00;
	s21 =	simm.s32 $0x2A00  }
0x1a: {  	v0 =	vand.u32 $0x7, v2;
	v2 =	vor.u32 $0x8, v2;
	v1 =	vmul.u32 $0x8, v1;
	s23 =	simm.s32 $0x3A00;
	s14 =	simm.s32 $0xA200;
	s2 =	simm.s32 $0xC200  }
.LBB2_1:
0x1b: {  	s16 =	rddreg [dreg:$0x4]  }
0x1c: {  	[tilespmem:s3], [sflag:$0x4] =	stream.linear.gather [hbm4b:s16+s3], $0x30, $0x38;
	[tilespmem:$0x18200] =	vst v63  }
0x1d: {  	_ =	swait.ge [sflag:s8], $0x30  }
0x1e: {  	s0 =	rddreg [dreg:$0x5];
	[sflag:s8] =	ssyncset.done $0x0  }
0x1f: {  	s17 =	rddreg [dreg:$0xc];
	[sflag:s8] =	ssyncadd.s32 $0xFFFFFFD0  }
0x20: {  	[tilespmem:s17], [sflag:$0x4] =	stream.linear.gather [hbm4b:s0+s3], $0x30, $0x38;
	[tilespmem:$0x18200] =	vst v63  }
0x21: {  	_ =	swait.ge [sflag:s8], $0x30  }
0x22: {  	s9 =	rddreg [dreg:$0x6];
	[sflag:s8] =	ssyncset.done $0x0  }
0x23: {  	s11 =	rddreg [dreg:$0xd];
	[sflag:s8] =	ssyncadd.s32 $0xFFFFFFD0  }
0x24: {  	[tilespmem:s11], [sflag:$0x4] =	stream.linear.gather [hbm4b:s9+s3], $0x30, $0x38;
	[tilespmem:$0x18200] =	vst v63  }
0x25: {  	_ =	swait.ge [sflag:s8], $0x30  }
0x26: {  	s17 =	rddreg [dreg:$0x7];
	[sflag:s8] =	ssyncset.done $0x0  }
0x27: {  	s0 =	rddreg [dreg:$0xe];
	[sflag:s8] =	ssyncadd.s32 $0xFFFFFFD0  }
0x28: {  	[tilespmem:s0], [sflag:$0x4] =	stream.linear.gather [hbm4b:s17+s3], $0x30, $0x38;
	[tilespmem:$0x18200] =	vst v63  }
0x29: {  	_ =	swait.ge [sflag:s8], $0x30  }
0x2a: {  	[sflag:s8] =	ssyncset.done $0x0  }
0x2b: {  	[sflag:s8] =	ssyncadd.s32 $0xFFFFFFD0  }
0x2c: {  	v3 =	vld [tilespmem:$0x0];
	_ =	sdelay $0x4  }
0x2d: {  	v4 =	vshll.u32 v3, $0x3  }
0x2e: {  	v3 =	vand.u32 $0x7, v3;
	v4 =	vand.u32 $0xFFFFFFC0, v4  }
0x2f: {  	v3 =	vor.u32 v3, v4  }
0x30: {  	v4 =	vperm.xlane v3, v0;
	_ =	sdelay $0x1  }
0x31: {  	v4 =	vadd.s32 v1, v4;
	_ =	sdelay $0x3  }
0x32: {  	s11 =	simm.s32 $0x200  }
0x33: {  	[tilespmem:s11], [sflag:$0x1] =	stream.indirect_vreg.gather [hbm4b:s1+s3], $0x80, v4, vm0, $0xb8;
	[tilespmem:$0x18200] =	vst v63  }
0x34: {  	s17 =	simm.s32 $0xA00;
	v3 =	vperm.xlane v3, v2  }
0x35: {  	[tilespmem:s17], [sflag:$0x1] =	stream.indirect_vreg.gather [hbm4b:s4+s3], $0x80, v4, vm0, $0xb8;
	[tilespmem:$0x18200] =	vst v63  }
0x36: {  	v3 =	vadd.s32 v1, v3  }
0x37: {  	[tilespmem:s18], [sflag:$0x1] =	stream.indirect_vreg.gather [hbm4b:s5+s3], $0x80, v4, vm0, $0xb8;
	[tilespmem:$0x18200] =	vst v63  }
0x38: {  	_ = 	snop  }
0x39: {  	[tilespmem:s19], [sflag:$0x1] =	stream.indirect_vreg.gather [hbm4b:s6+s3], $0x80, v4, vm0, $0xb8;
	[tilespmem:$0x18200] =	vst v63  }
0x3a: {  	_ = 	snop  }
0x3b: {  	[tilespmem:s20], [sflag:$0x1] =	stream.indirect_vreg.gather [hbm4b:s1+s3], $0x80, v3, vm0, $0xb8;
	[tilespmem:$0x18200] =	vst v63  }
0x3c: {  	_ = 	snop  }
0x3d: {  	[tilespmem:s21], [sflag:$0x1] =	stream.indirect_vreg.gather [hbm4b:s4+s3], $0x80, v3, vm0, $0xb8;
	[tilespmem:$0x18200] =	vst v63  }
0x3e: {  	_ = 	snop  }
0x3f: {  	[tilespmem:s22], [sflag:$0x1] =	stream.indirect_vreg.gather [hbm4b:s5+s3], $0x80, v3, vm0, $0xb8;
	[tilespmem:$0x18200] =	vst v63  }
0x40: {  	_ = 	snop  }
0x41: {  	[tilespmem:s23], [sflag:$0x1] =	stream.indirect_vreg.gather [hbm4b:s6+s3], $0x80, v3, vm0, $0xb8;
	[tilespmem:$0x18200] =	vst v63  }
0x42: {  	v3 =	vld [tilespmem:$0x10];
	_ =	sdelay $0x4  }
0x43: {  	v53 =	vshll.u32 v3, $0x3  }
0x44: {  	v3 =	vand.u32 $0x7, v3;
	v4 =	vand.u32 $0xFFFFFFC0, v53  }
0x45: {  	v3 =	vor.u32 v3, v4  }
0x46: {  	v4 =	vperm.xlane v3, v0;
	_ =	sdelay $0x1  }
0x47: {  	v4 =	vadd.s32 v1, v4;
	_ =	sdelay $0x4  }
0x48: {  	[tilespmem:s24], [sflag:$0x1] =	stream.indirect_vreg.gather [hbm4b:s1+s3], $0x80, v4, vm0, $0xb8;
	[tilespmem:$0x18200] =	vst v63  }
0x49: {  	v3 =	vperm.xlane v3, v2  }
0x4a: {  	[tilespmem:s25], [sflag:$0x1] =	stream.indirect_vreg.gather [hbm4b:s4+s3], $0x80, v4, vm0, $0xb8;
	[tilespmem:$0x18200] =	vst v63  }
0x4b: {  	v3 =	vadd.s32 v1, v3  }
0x4c: {  	[tilespmem:s26], [sflag:$0x1] =	stream.indirect_vreg.gather [hbm4b:s5+s3], $0x80, v4, vm0, $0xb8;
	[tilespmem:$0x18200] =	vst v63  }
0x4d: {  	_ = 	snop  }
0x4e: {  	[tilespmem:s28], [sflag:$0x1] =	stream.indirect_vreg.gather [hbm4b:s6+s3], $0x80, v4, vm0, $0xb8;
	[tilespmem:$0x18200] =	vst v63  }
0x4f: {  	_ = 	snop  }
0x50: {  	[tilespmem:s29], [sflag:$0x1] =	stream.indirect_vreg.gather [hbm4b:s1+s3], $0x80, v3, vm0, $0xb8;
	[tilespmem:$0x18200] =	vst v63  }
0x51: {  	_ = 	snop  }
0x52: {  	[tilespmem:s30], [sflag:$0x1] =	stream.indirect_vreg.gather [hbm4b:s4+s3], $0x80, v3, vm0, $0xb8;
	[tilespmem:$0x18200] =	vst v63  }
0x53: {  	_ = 	snop  }
0x54: {  	[tilespmem:s31], [sflag:$0x1] =	stream.indirect_vreg.gather [hbm4b:s5+s3], $0x80, v3, vm0, $0xb8;
	[tilespmem:$0x18200] =	vst v63  }
0x55: {  	s0 =	simm.s32 $0x7A00  }
0x56: {  	[tilespmem:s0], [sflag:$0x1] =	stream.indirect_vreg.gather [hbm4b:s6+s3], $0x80, v3, vm0, $0xb8;
	[tilespmem:$0x18200] =	vst v63  }
0x57: {  	v3 =	vld [tilespmem:$0x20];
	_ =	sdelay $0x4  }
0x58: {  	v54 =	vshll.u32 v3, $0x3  }
0x59: {  	v3 =	vand.u32 $0x7, v3;
	v4 =	vand.u32 $0xFFFFFFC0, v54  }
0x5a: {  	v3 =	vor.u32 v3, v4  }
0x5b: {  	v4 =	vperm.xlane v3, v0;
	_ =	sdelay $0x1  }
0x5c: {  	v4 =	vadd.s32 v1, v4;
	_ =	sdelay $0x3  }
0x5d: {  	s9 =	simm.s32 $0x8200  }
0x5e: {  	[tilespmem:s9], [sflag:$0x1] =	stream.indirect_vreg.gather [hbm4b:s1+s3], $0x80, v4, vm0, $0xb8;
	[tilespmem:$0x18200] =	vst v63  }
0x5f: {  	v3 =	vperm.xlane v3, v2  }
0x60: {  	[tilespmem:s12], [sflag:$0x1] =	stream.indirect_vreg.gather [hbm4b:s4+s3], $0x80, v4, vm0, $0xb8;
	[tilespmem:$0x18200] =	vst v63  }
0x61: {  	v3 =	vadd.s32 v1, v3  }
0x62: {  	[tilespmem:s13], [sflag:$0x1] =	stream.indirect_vreg.gather [hbm4b:s5+s3], $0x80, v4, vm0, $0xb8;
	[tilespmem:$0x18200] =	vst v63  }
0x63: {  	s9 =	simm.s32 $0x9A00  }
0x64: {  	[tilespmem:s9], [sflag:$0x1] =	stream.indirect_vreg.gather [hbm4b:s6+s3], $0x80, v4, vm0, $0xb8;
	[tilespmem:$0x18200] =	vst v63  }
0x65: {  	_ = 	snop  }
0x66: {  	[tilespmem:s14], [sflag:$0x1] =	stream.indirect_vreg.gather [hbm4b:s1+s3], $0x80, v3, vm0, $0xb8;
	[tilespmem:$0x18200] =	vst v63  }
0x67: {  	_ = 	snop  }
0x68: {  	[tilespmem:s15], [sflag:$0x1] =	stream.indirect_vreg.gather [hbm4b:s4+s3], $0x80, v3, vm0, $0xb8;
	[tilespmem:$0x18200] =	vst v63  }
0x69: {  	s16 =	simm.s32 $0xB200  }
0x6a: {  	[tilespmem:s16], [sflag:$0x1] =	stream.indirect_vreg.gather [hbm4b:s5+s3], $0x80, v3, vm0, $0xb8;
	[tilespmem:$0x18200] =	vst v63  }
0x6b: {  	s16 =	simm.s32 $0xBA00  }
0x6c: {  	[tilespmem:s16], [sflag:$0x1] =	stream.indirect_vreg.gather [hbm4b:s6+s3], $0x80, v3, vm0, $0xb8;
	[tilespmem:$0x18200] =	vst v63  }
0x6d: {  	_ =	swait.ge [sflag:s10], $0xC000  }
0x6e: {  	[sflag:s10] =	ssyncset.done $0x0  }
0x6f: {  	s0 =	rddreg [dreg:$0x8];
	[sflag:s10] =	ssyncadd.s32 $0xFFFF4000  }
0x70: {  	[hbm4b:s0+s3] =	stream.linear.scatter [tilespmem:s11], [sflag:$0x2], $0xC000, $0x38;
	[tilespmem:$0x18200] =	vst v63  }
0x71: {  	v3 =	vld [tilespmem:$0x80];
	_ =	sdelay $0x4  }
0x72: {  	v55 =	vshll.u32 v3, $0x3  }
0x73: {  	v3 =	vand.u32 $0x7, v3;
	v4 =	vand.u32 $0xFFFFFFC0, v55  }
0x74: {  	v3 =	vor.u32 v3, v4  }
0x75: {  	v4 =	vperm.xlane v3, v0;
	_ =	sdelay $0x1  }
0x76: {  	v4 =	vadd.s32 v1, v4;
	_ =	sdelay $0x4  }
0x77: {  	[tilespmem:s2], [sflag:$0x1] =	stream.indirect_vreg.gather [hbm4b:s1+s3], $0x80, v4, vm0, $0xb8;
	[tilespmem:$0x18200] =	vst v63  }
0x78: {  	s16 =	simm.s32 $0xCA00;
	v3 =	vperm.xlane v3, v2  }
0x79: {  	[tilespmem:s16], [sflag:$0x1] =	stream.indirect_vreg.gather [hbm4b:s4+s3], $0x80, v4, vm0, $0xb8;
	[tilespmem:$0x18200] =	vst v63  }
0x7a: {  	v3 =	vadd.s32 v1, v3;
	s16 =	simm.s32 $0xD200  }
0x7b: {  	[tilespmem:s16], [sflag:$0x1] =	stream.indirect_vreg.gather [hbm4b:s5+s3], $0x80, v4, vm0, $0xb8;
	[tilespmem:$0x18200] =	vst v63  }
0x7c: {  	s16 =	simm.s32 $0xDA00  }
0x7d: {  	[tilespmem:s16], [sflag:$0x1] =	stream.indirect_vreg.gather [hbm4b:s6+s3], $0x80, v4, vm0, $0xb8;
	[tilespmem:$0x18200] =	vst v63  }
0x7e: {  	s16 =	simm.s32 $0xE200  }
0x7f: {  	[tilespmem:s16], [sflag:$0x1] =	stream.indirect_vreg.gather [hbm4b:s1+s3], $0x80, v3, vm0, $0xb8;
	[tilespmem:$0x18200] =	vst v63  }
0x80: {  	s16 =	simm.s32 $0xEA00  }
0x81: {  	[tilespmem:s16], [sflag:$0x1] =	stream.indirect_vreg.gather [hbm4b:s4+s3], $0x80, v3, vm0, $0xb8;
	[tilespmem:$0x18200] =	vst v63  }
0x82: {  	s16 =	simm.s32 $0xF200  }
0x83: {  	[tilespmem:s16], [sflag:$0x1] =	stream.indirect_vreg.gather [hbm4b:s5+s3], $0x80, v3, vm0, $0xb8;
	[tilespmem:$0x18200] =	vst v63  }
0x84: {  	s16 =	simm.s32 $0xFA00  }
0x85: {  	[tilespmem:s16], [sflag:$0x1] =	stream.indirect_vreg.gather [hbm4b:s6+s3], $0x80, v3, vm0, $0xb8;
	[tilespmem:$0x18200] =	vst v63  }
0x86: {  	v3 =	vld [tilespmem:$0x90];
	_ =	sdelay $0x4  }
0x87: {  	v56 =	vshll.u32 v3, $0x3  }
0x88: {  	v3 =	vand.u32 $0x7, v3;
	v4 =	vand.u32 $0xFFFFFFC0, v56  }
0x89: {  	v3 =	vor.u32 v3, v4  }
0x8a: {  	v4 =	vperm.xlane v3, v0;
	_ =	sdelay $0x1  }
0x8b: {  	v4 =	vadd.s32 v1, v4;
	_ =	sdelay $0x3  }
0x8c: {  	s16 =	simm.s32 $0x10200  }
0x8d: {  	[tilespmem:s16], [sflag:$0x1] =	stream.indirect_vreg.gather [hbm4b:s1+s3], $0x80, v4, vm0, $0xb8;
	[tilespmem:$0x18200] =	vst v63  }
0x8e: {  	v3 =	vperm.xlane v3, v2;
	s16 =	simm.s32 $0x10A00  }
0x8f: {  	[tilespmem:s16], [sflag:$0x1] =	stream.indirect_vreg.gather [hbm4b:s4+s3], $0x80, v4, vm0, $0xb8;
	[tilespmem:$0x18200] =	vst v63  }
0x90: {  	v3 =	vadd.s32 v1, v3;
	s16 =	simm.s32 $0x11200  }
0x91: {  	[tilespmem:s16], [sflag:$0x1] =	stream.indirect_vreg.gather [hbm4b:s5+s3], $0x80, v4, vm0, $0xb8;
	[tilespmem:$0x18200] =	vst v63  }
0x92: {  	s16 =	simm.s32 $0x11A00  }
0x93: {  	[tilespmem:s16], [sflag:$0x1] =	stream.indirect_vreg.gather [hbm4b:s6+s3], $0x80, v4, vm0, $0xb8;
	[tilespmem:$0x18200] =	vst v63  }
0x94: {  	s16 =	simm.s32 $0x12200  }
0x95: {  	[tilespmem:s16], [sflag:$0x1] =	stream.indirect_vreg.gather [hbm4b:s1+s3], $0x80, v3, vm0, $0xb8;
	[tilespmem:$0x18200] =	vst v63  }
0x96: {  	s16 =	simm.s32 $0x12A00  }
0x97: {  	[tilespmem:s16], [sflag:$0x1] =	stream.indirect_vreg.gather [hbm4b:s4+s3], $0x80, v3, vm0, $0xb8;
	[tilespmem:$0x18200] =	vst v63  }
0x98: {  	s16 =	simm.s32 $0x13200  }
0x99: {  	[tilespmem:s16], [sflag:$0x1] =	stream.indirect_vreg.gather [hbm4b:s5+s3], $0x80, v3, vm0, $0xb8;
	[tilespmem:$0x18200] =	vst v63  }
0x9a: {  	s16 =	simm.s32 $0x13A00  }
0x9b: {  	[tilespmem:s16], [sflag:$0x1] =	stream.indirect_vreg.gather [hbm4b:s6+s3], $0x80, v3, vm0, $0xb8;
	[tilespmem:$0x18200] =	vst v63  }
0x9c: {  	v3 =	vld [tilespmem:$0xA0];
	_ =	sdelay $0x4  }
0x9d: {  	v57 =	vshll.u32 v3, $0x3  }
0x9e: {  	v3 =	vand.u32 $0x7, v3;
	v4 =	vand.u32 $0xFFFFFFC0, v57  }
0x9f: {  	v3 =	vor.u32 v3, v4  }
0xa0: {  	v4 =	vperm.xlane v3, v0;
	_ =	sdelay $0x1  }
0xa1: {  	v4 =	vadd.s32 v1, v4;
	_ =	sdelay $0x3  }
0xa2: {  	s16 =	simm.s32 $0x14200  }
0xa3: {  	[tilespmem:s16], [sflag:$0x1] =	stream.indirect_vreg.gather [hbm4b:s1+s3], $0x80, v4, vm0, $0xb8;
	[tilespmem:$0x18200] =	vst v63  }
0xa4: {  	v3 =	vperm.xlane v3, v2;
	s16 =	simm.s32 $0x14A00  }
0xa5: {  	[tilespmem:s16], [sflag:$0x1] =	stream.indirect_vreg.gather [hbm4b:s4+s3], $0x80, v4, vm0, $0xb8;
	[tilespmem:$0x18200] =	vst v63  }
0xa6: {  	v3 =	vadd.s32 v1, v3;
	s16 =	simm.s32 $0x15200  }
0xa7: {  	[tilespmem:s16], [sflag:$0x1] =	stream.indirect_vreg.gather [hbm4b:s5+s3], $0x80, v4, vm0, $0xb8;
	[tilespmem:$0x18200] =	vst v63  }
0xa8: {  	s16 =	simm.s32 $0x15A00  }
0xa9: {  	[tilespmem:s16], [sflag:$0x1] =	stream.indirect_vreg.gather [hbm4b:s6+s3], $0x80, v4, vm0, $0xb8;
	[tilespmem:$0x18200] =	vst v63  }
0xaa: {  	s16 =	simm.s32 $0x16200  }
0xab: {  	[tilespmem:s16], [sflag:$0x1] =	stream.indirect_vreg.gather [hbm4b:s1+s3], $0x80, v3, vm0, $0xb8;
	[tilespmem:$0x18200] =	vst v63  }
0xac: {  	s16 =	simm.s32 $0x16A00  }
0xad: {  	[tilespmem:s16], [sflag:$0x1] =	stream.indirect_vreg.gather [hbm4b:s4+s3], $0x80, v3, vm0, $0xb8;
	[tilespmem:$0x18200] =	vst v63  }
0xae: {  	s16 =	simm.s32 $0x17200  }
0xaf: {  	[tilespmem:s16], [sflag:$0x1] =	stream.indirect_vreg.gather [hbm4b:s5+s3], $0x80, v3, vm0, $0xb8;
	[tilespmem:$0x18200] =	vst v63  }
0xb0: {  	s16 =	simm.s32 $0x17A00  }
0xb1: {  	[tilespmem:s16], [sflag:$0x1] =	stream.indirect_vreg.gather [hbm4b:s6+s3], $0x80, v3, vm0, $0xb8;
	[tilespmem:$0x18200] =	vst v63  }
0xb2: {  	_ =	swait.ge [sflag:s10], $0xC000  }
0xb3: {  	[sflag:s10] =	ssyncset.done $0x0  }
0xb4: {  	s0 =	rddreg [dreg:$0x9];
	[sflag:s10] =	ssyncadd.s32 $0xFFFF4000  }
0xb5: {  	[hbm4b:s0+s3] =	stream.linear.scatter [tilespmem:s2], [sflag:$0x3], $0xC000, $0x38;
	[tilespmem:$0x18200] =	vst v63  }
0xb6: {  	s0 =	simm.s32 $0x2  }
0xb7: {  	_ =	swait.ge [sflag:s0], $0xC000  }
0xb8: {  	[sflag:s0] =	ssyncset.done $0x0  }
0xb9: {  	[sflag:s0] =	ssyncadd.s32 $0xFFFF4000  }
0xba: {  	v3 =	vld [tilespmem:$0x100];
	_ =	sdelay $0x4  }
0xbb: {  	v58 =	vshll.u32 v3, $0x3  }
0xbc: {  	v3 =	vand.u32 $0x7, v3;
	v4 =	vand.u32 $0xFFFFFFC0, v58  }
0xbd: {  	v3 =	vor.u32 v3, v4  }
0xbe: {  	v4 =	vperm.xlane v3, v0;
	_ =	sdelay $0x1  }
0xbf: {  	v4 =	vadd.s32 v1, v4;
	_ =	sdelay $0x4  }
0xc0: {  	[tilespmem:s11], [sflag:$0x1] =	stream.indirect_vreg.gather [hbm4b:s1+s3], $0x80, v4, vm0, $0xb8;
	[tilespmem:$0x18200] =	vst v63  }
0xc1: {  	v3 =	vperm.xlane v3, v2  }
0xc2: {  	[tilespmem:s17], [sflag:$0x1] =	stream.indirect_vreg.gather [hbm4b:s4+s3], $0x80, v4, vm0, $0xb8;
	[tilespmem:$0x18200] =	vst v63  }
0xc3: {  	v3 =	vadd.s32 v1, v3  }
0xc4: {  	[tilespmem:s18], [sflag:$0x1] =	stream.indirect_vreg.gather [hbm4b:s5+s3], $0x80, v4, vm0, $0xb8;
	[tilespmem:$0x18200] =	vst v63  }
0xc5: {  	_ = 	snop  }
0xc6: {  	[tilespmem:s19], [sflag:$0x1] =	stream.indirect_vreg.gather [hbm4b:s6+s3], $0x80, v4, vm0, $0xb8;
	[tilespmem:$0x18200] =	vst v63  }
0xc7: {  	_ = 	snop  }
0xc8: {  	[tilespmem:s20], [sflag:$0x1] =	stream.indirect_vreg.gather [hbm4b:s1+s3], $0x80, v3, vm0, $0xb8;
	[tilespmem:$0x18200] =	vst v63  }
0xc9: {  	_ = 	snop  }
0xca: {  	[tilespmem:s21], [sflag:$0x1] =	stream.indirect_vreg.gather [hbm4b:s4+s3], $0x80, v3, vm0, $0xb8;
	[tilespmem:$0x18200] =	vst v63  }
0xcb: {  	_ = 	snop  }
0xcc: {  	[tilespmem:s22], [sflag:$0x1] =	stream.indirect_vreg.gather [hbm4b:s5+s3], $0x80, v3, vm0, $0xb8;
	[tilespmem:$0x18200] =	vst v63  }
0xcd: {  	_ = 	snop  }
0xce: {  	[tilespmem:s23], [sflag:$0x1] =	stream.indirect_vreg.gather [hbm4b:s6+s3], $0x80, v3, vm0, $0xb8;
	[tilespmem:$0x18200] =	vst v63  }
0xcf: {  	v3 =	vld [tilespmem:$0x110];
	_ =	sdelay $0x4  }
0xd0: {  	v59 =	vshll.u32 v3, $0x3  }
0xd1: {  	v3 =	vand.u32 $0x7, v3;
	v4 =	vand.u32 $0xFFFFFFC0, v59  }
0xd2: {  	v3 =	vor.u32 v3, v4  }
0xd3: {  	v4 =	vperm.xlane v3, v0;
	_ =	sdelay $0x1  }
0xd4: {  	v4 =	vadd.s32 v1, v4;
	_ =	sdelay $0x4  }
0xd5: {  	[tilespmem:s24], [sflag:$0x1] =	stream.indirect_vreg.gather [hbm4b:s1+s3], $0x80, v4, vm0, $0xb8;
	[tilespmem:$0x18200] =	vst v63  }
0xd6: {  	v3 =	vperm.xlane v3, v2  }
0xd7: {  	[tilespmem:s25], [sflag:$0x1] =	stream.indirect_vreg.gather [hbm4b:s4+s3], $0x80, v4, vm0, $0xb8;
	[tilespmem:$0x18200] =	vst v63  }
0xd8: {  	v3 =	vadd.s32 v1, v3  }
0xd9: {  	[tilespmem:s26], [sflag:$0x1] =	stream.indirect_vreg.gather [hbm4b:s5+s3], $0x80, v4, vm0, $0xb8;
	[tilespmem:$0x18200] =	vst v63  }
0xda: {  	_ = 	snop  }
0xdb: {  	[tilespmem:s28], [sflag:$0x1] =	stream.indirect_vreg.gather [hbm4b:s6+s3], $0x80, v4, vm0, $0xb8;
	[tilespmem:$0x18200] =	vst v63  }
0xdc: {  	_ = 	snop  }
0xdd: {  	[tilespmem:s29], [sflag:$0x1] =	stream.indirect_vreg.gather [hbm4b:s1+s3], $0x80, v3, vm0, $0xb8;
	[tilespmem:$0x18200] =	vst v63  }
0xde: {  	_ = 	snop  }
0xdf: {  	[tilespmem:s30], [sflag:$0x1] =	stream.indirect_vreg.gather [hbm4b:s4+s3], $0x80, v3, vm0, $0xb8;
	[tilespmem:$0x18200] =	vst v63  }
0xe0: {  	_ = 	snop  }
0xe1: {  	[tilespmem:s31], [sflag:$0x1] =	stream.indirect_vreg.gather [hbm4b:s5+s3], $0x80, v3, vm0, $0xb8;
	[tilespmem:$0x18200] =	vst v63  }
0xe2: {  	s17 =	simm.s32 $0x7A00  }
0xe3: {  	[tilespmem:s17], [sflag:$0x1] =	stream.indirect_vreg.gather [hbm4b:s6+s3], $0x80, v3, vm0, $0xb8;
	[tilespmem:$0x18200] =	vst v63  }
0xe4: {  	v3 =	vld [tilespmem:$0x120];
	_ =	sdelay $0x4  }
0xe5: {  	v60 =	vshll.u32 v3, $0x3  }
0xe6: {  	v3 =	vand.u32 $0x7, v3;
	v4 =	vand.u32 $0xFFFFFFC0, v60  }
0xe7: {  	v3 =	vor.u32 v3, v4  }
0xe8: {  	v4 =	vperm.xlane v3, v0;
	_ =	sdelay $0x1  }
0xe9: {  	v4 =	vadd.s32 v1, v4;
	_ =	sdelay $0x3  }
0xea: {  	s17 =	simm.s32 $0x8200  }
0xeb: {  	[tilespmem:s17], [sflag:$0x1] =	stream.indirect_vreg.gather [hbm4b:s1+s3], $0x80, v4, vm0, $0xb8;
	[tilespmem:$0x18200] =	vst v63  }
0xec: {  	v3 =	vperm.xlane v3, v2  }
0xed: {  	[tilespmem:s12], [sflag:$0x1] =	stream.indirect_vreg.gather [hbm4b:s4+s3], $0x80, v4, vm0, $0xb8;
	[tilespmem:$0x18200] =	vst v63  }
0xee: {  	v3 =	vadd.s32 v1, v3  }
0xef: {  	[tilespmem:s13], [sflag:$0x1] =	stream.indirect_vreg.gather [hbm4b:s5+s3], $0x80, v4, vm0, $0xb8;
	[tilespmem:$0x18200] =	vst v63  }
0xf0: {  	_ = 	snop  }
0xf1: {  	[tilespmem:s9], [sflag:$0x1] =	stream.indirect_vreg.gather [hbm4b:s6+s3], $0x80, v4, vm0, $0xb8;
	[tilespmem:$0x18200] =	vst v63  }
0xf2: {  	_ = 	snop  }
0xf3: {  	[tilespmem:s14], [sflag:$0x1] =	stream.indirect_vreg.gather [hbm4b:s1+s3], $0x80, v3, vm0, $0xb8;
	[tilespmem:$0x18200] =	vst v63  }
0xf4: {  	_ = 	snop  }
0xf5: {  	[tilespmem:s15], [sflag:$0x1] =	stream.indirect_vreg.gather [hbm4b:s4+s3], $0x80, v3, vm0, $0xb8;
	[tilespmem:$0x18200] =	vst v63  }
0xf6: {  	s16 =	simm.s32 $0xB200  }
0xf7: {  	[tilespmem:s16], [sflag:$0x1] =	stream.indirect_vreg.gather [hbm4b:s5+s3], $0x80, v3, vm0, $0xb8;
	[tilespmem:$0x18200] =	vst v63  }
0xf8: {  	s17 =	simm.s32 $0xBA00  }
0xf9: {  	[tilespmem:s17], [sflag:$0x1] =	stream.indirect_vreg.gather [hbm4b:s6+s3], $0x80, v3, vm0, $0xb8;
	[tilespmem:$0x18200] =	vst v63  }
0xfa: {  	_ =	swait.ge [sflag:s10], $0xC000  }
0xfb: {  	[sflag:s10] =	ssyncset.done $0x0  }
0xfc: {  	s9 =	rddreg [dreg:$0xa];
	[sflag:s10] =	ssyncadd.s32 $0xFFFF4000  }
0xfd: {  	[hbm4b:s9+s3] =	stream.linear.scatter [tilespmem:s11], [sflag:$0x2], $0xC000, $0x38;
	[tilespmem:$0x18200] =	vst v63  }
0xfe: {  	s9 =	simm.s32 $0x3  }
0xff: {  	_ =	swait.ge [sflag:s9], $0xC000  }
0x100: {  	[sflag:s9] =	ssyncset.done $0x0  }
0x101: {  	[sflag:s9] =	ssyncadd.s32 $0xFFFF4000  }
0x102: {  	v3 =	vld [tilespmem:$0x180];
	_ =	sdelay $0x4  }
0x103: {  	v61 =	vshll.u32 v3, $0x3  }
0x104: {  	v3 =	vand.u32 $0x7, v3;
	v4 =	vand.u32 $0xFFFFFFC0, v61  }
0x105: {  	v3 =	vor.u32 v3, v4  }
0x106: {  	v4 =	vperm.xlane v3, v0;
	_ =	sdelay $0x1  }
0x107: {  	v4 =	vadd.s32 v1, v4;
	_ =	sdelay $0x4  }
0x108: {  	[tilespmem:s2], [sflag:$0x1] =	stream.indirect_vreg.gather [hbm4b:s1+s3], $0x80, v4, vm0, $0xb8;
	[tilespmem:$0x18200] =	vst v63  }
0x109: {  	s16 =	simm.s32 $0xCA00;
	v3 =	vperm.xlane v3, v2  }
0x10a: {  	[tilespmem:s16], [sflag:$0x1] =	stream.indirect_vreg.gather [hbm4b:s4+s3], $0x80, v4, vm0, $0xb8;
	[tilespmem:$0x18200] =	vst v63  }
0x10b: {  	s17 =	simm.s32 $0xD200;
	v3 =	vadd.s32 v1, v3  }
0x10c: {  	[tilespmem:s17], [sflag:$0x1] =	stream.indirect_vreg.gather [hbm4b:s5+s3], $0x80, v4, vm0, $0xb8;
	[tilespmem:$0x18200] =	vst v63  }
0x10d: {  	s16 =	simm.s32 $0xDA00  }
0x10e: {  	[tilespmem:s16], [sflag:$0x1] =	stream.indirect_vreg.gather [hbm4b:s6+s3], $0x80, v4, vm0, $0xb8;
	[tilespmem:$0x18200] =	vst v63  }
0x10f: {  	s17 =	simm.s32 $0xE200  }
0x110: {  	[tilespmem:s17], [sflag:$0x1] =	stream.indirect_vreg.gather [hbm4b:s1+s3], $0x80, v3, vm0, $0xb8;
	[tilespmem:$0x18200] =	vst v63  }
0x111: {  	s16 =	simm.s32 $0xEA00  }
0x112: {  	[tilespmem:s16], [sflag:$0x1] =	stream.indirect_vreg.gather [hbm4b:s4+s3], $0x80, v3, vm0, $0xb8;
	[tilespmem:$0x18200] =	vst v63  }
0x113: {  	s17 =	simm.s32 $0xF200  }
0x114: {  	[tilespmem:s17], [sflag:$0x1] =	stream.indirect_vreg.gather [hbm4b:s5+s3], $0x80, v3, vm0, $0xb8;
	[tilespmem:$0x18200] =	vst v63  }
0x115: {  	s16 =	simm.s32 $0xFA00  }
0x116: {  	[tilespmem:s16], [sflag:$0x1] =	stream.indirect_vreg.gather [hbm4b:s6+s3], $0x80, v3, vm0, $0xb8;
	[tilespmem:$0x18200] =	vst v63  }
0x117: {  	v3 =	vld [tilespmem:$0x190];
	_ =	sdelay $0x4  }
0x118: {  	v62 =	vshll.u32 v3, $0x3  }
0x119: {  	v3 =	vand.u32 $0x7, v3;
	v4 =	vand.u32 $0xFFFFFFC0, v62  }
0x11a: {  	v3 =	vor.u32 v3, v4  }
0x11b: {  	v4 =	vperm.xlane v3, v0;
	_ =	sdelay $0x1  }
0x11c: {  	v4 =	vadd.s32 v1, v4;
	_ =	sdelay $0x3  }
0x11d: {  	s17 =	simm.s32 $0x10200  }
0x11e: {  	[tilespmem:s17], [sflag:$0x1] =	stream.indirect_vreg.gather [hbm4b:s1+s3], $0x80, v4, vm0, $0xb8;
	[tilespmem:$0x18200] =	vst v63  }
0x11f: {  	s16 =	simm.s32 $0x10A00;
	v3 =	vperm.xlane v3, v2  }
0x120: {  	[tilespmem:s16], [sflag:$0x1] =	stream.indirect_vreg.gather [hbm4b:s4+s3], $0x80, v4, vm0, $0xb8;
	[tilespmem:$0x18200] =	vst v63  }
0x121: {  	v3 =	vadd.s32 v1, v3;
	s17 =	simm.s32 $0x11200  }
0x122: {  	[tilespmem:s17], [sflag:$0x1] =	stream.indirect_vreg.gather [hbm4b:s5+s3], $0x80, v4, vm0, $0xb8;
	[tilespmem:$0x18200] =	vst v63  }
0x123: {  	s16 =	simm.s32 $0x11A00  }
0x124: {  	[tilespmem:s16], [sflag:$0x1] =	stream.indirect_vreg.gather [hbm4b:s6+s3], $0x80, v4, vm0, $0xb8;
	[tilespmem:$0x18200] =	vst v63  }
0x125: {  	s17 =	simm.s32 $0x12200  }
0x126: {  	[tilespmem:s17], [sflag:$0x1] =	stream.indirect_vreg.gather [hbm4b:s1+s3], $0x80, v3, vm0, $0xb8;
	[tilespmem:$0x18200] =	vst v63  }
0x127: {  	s16 =	simm.s32 $0x12A00  }
0x128: {  	[tilespmem:s16], [sflag:$0x1] =	stream.indirect_vreg.gather [hbm4b:s4+s3], $0x80, v3, vm0, $0xb8;
	[tilespmem:$0x18200] =	vst v63  }
0x129: {  	s17 =	simm.s32 $0x13200  }
0x12a: {  	[tilespmem:s17], [sflag:$0x1] =	stream.indirect_vreg.gather [hbm4b:s5+s3], $0x80, v3, vm0, $0xb8;
	[tilespmem:$0x18200] =	vst v63  }
0x12b: {  	s16 =	simm.s32 $0x13A00  }
0x12c: {  	[tilespmem:s16], [sflag:$0x1] =	stream.indirect_vreg.gather [hbm4b:s6+s3], $0x80, v3, vm0, $0xb8;
	[tilespmem:$0x18200] =	vst v63  }
0x12d: {  	v3 =	vld [tilespmem:$0x1A0];
	_ =	sdelay $0x4  }
0x12e: {  	v63 =	vshll.u32 v3, $0x3  }
0x12f: {  	v3 =	vand.u32 $0x7, v3;
	v4 =	vand.u32 $0xFFFFFFC0, v63  }
0x130: {  	v3 =	vor.u32 v3, v4  }
0x131: {  	v4 =	vperm.xlane v3, v0;
	_ =	sdelay $0x1  }
0x132: {  	v4 =	vadd.s32 v1, v4;
	_ =	sdelay $0x3  }
0x133: {  	s17 =	simm.s32 $0x14200  }
0x134: {  	[tilespmem:s17], [sflag:$0x1] =	stream.indirect_vreg.gather [hbm4b:s1+s3], $0x80, v4, vm0, $0xb8;
	[tilespmem:$0x18200] =	vst v63  }
0x135: {  	s16 =	simm.s32 $0x14A00;
	v3 =	vperm.xlane v3, v2  }
0x136: {  	[tilespmem:s16], [sflag:$0x1] =	stream.indirect_vreg.gather [hbm4b:s4+s3], $0x80, v4, vm0, $0xb8;
	[tilespmem:$0x18200] =	vst v63  }
0x137: {  	v3 =	vadd.s32 v1, v3;
	s17 =	simm.s32 $0x15200  }
0x138: {  	[tilespmem:s17], [sflag:$0x1] =	stream.indirect_vreg.gather [hbm4b:s5+s3], $0x80, v4, vm0, $0xb8;
	[tilespmem:$0x18200] =	vst v63  }
0x139: {  	s16 =	simm.s32 $0x15A00  }
0x13a: {  	[tilespmem:s16], [sflag:$0x1] =	stream.indirect_vreg.gather [hbm4b:s6+s3], $0x80, v4, vm0, $0xb8;
	[tilespmem:$0x18200] =	vst v63  }
0x13b: {  	s17 =	simm.s32 $0x16200  }
0x13c: {  	[tilespmem:s17], [sflag:$0x1] =	stream.indirect_vreg.gather [hbm4b:s1+s3], $0x80, v3, vm0, $0xb8;
	[tilespmem:$0x18200] =	vst v63  }
0x13d: {  	s16 =	simm.s32 $0x16A00  }
0x13e: {  	[tilespmem:s16], [sflag:$0x1] =	stream.indirect_vreg.gather [hbm4b:s4+s3], $0x80, v3, vm0, $0xb8;
	[tilespmem:$0x18200] =	vst v63  }
0x13f: {  	s17 =	simm.s32 $0x17200  }
0x140: {  	[tilespmem:s17], [sflag:$0x1] =	stream.indirect_vreg.gather [hbm4b:s5+s3], $0x80, v3, vm0, $0xb8;
	[tilespmem:$0x18200] =	vst v63  }
0x141: {  	s16 =	simm.s32 $0x17A00  }
0x142: {  	[tilespmem:s16], [sflag:$0x1] =	stream.indirect_vreg.gather [hbm4b:s6+s3], $0x80, v3, vm0, $0xb8;
	[tilespmem:$0x18200] =	vst v63  }
0x143: {  	_ =	swait.ge [sflag:s10], $0xC000  }
0x144: {  	[sflag:s10] =	ssyncset.done $0x0  }
0x145: {  	s17 =	rddreg [dreg:$0xb];
	[sflag:s10] =	ssyncadd.s32 $0xFFFF4000  }
0x146: {  	[hbm4b:s17+s3] =	stream.linear.scatter [tilespmem:s2], [sflag:$0x3], $0xC000, $0x38;
	[tilespmem:$0x18200] =	vst v63  }
0x147: {  	p0 =	sne.s32 s7, $0x1;
	_ =	swait.ge [sflag:s0], $0xC000  }
.Ltmp0:
0x148: {  	[sflag:s0] =	ssyncset.done $0x0;
	(pc) =	sbr.rel @p0 .LBB2_1-.Ltmp0, $4  }
0x149: {  	[sflag:s0] =	ssyncadd.s32 $0xFFFF4000  }
0x14a: {  	_ =	swait.ge [sflag:s9], $0xC000  }
0x14b: {  	[sflag:s9] =	ssyncset.done $0x0  }
0x14c: {  	s7 =	sadd.s32 $0xFFFFFFFF, s7;
	[sflag:s9] =	ssyncadd.s32 $0xFFFF4000  }
0x14d: {  	_ =	sfence.sel $0x180000  }
0x14e: {  	[bflag:$0x0] =	sbarrier.arrive $0xFFFF  }
0x14f: {  	_ =	strace $0x9000004A  }
0x150: {  	s0 =	stileid.u32;
	[bflag:$0x2] =	sbarrier.arrive $0xFFFF  }
0x151: {  	p0 =	sne.s32 s0, $0x0;
	s0 =	rddreg [dreg:$0x3]  }
0x152: {  	s0 =	sadd.s32 @!p0 $0x100000, s0  }
0x153: {  	[sflag:s0] =	ssyncadd.tile.s32 @!p0 $0x1;
	_ =	shalt  }
.Lfunc_end2:
_tile_overlayer_lowered:
.L_overlay_start_2:
0x154: {  	(tag) =	ssettag $0x2  }
0x155: {  	s0 =	rddreg [dreg:$0x0];
	s2 =	stileid.u32  }
0x156: {  	s1 =	rddreg [dreg:$0x1];
	p0 =	sne.s32 s2, $0x0  }
0x157: {  	s3 =	rddreg [dreg:$0x2];
	[bflag:$0x3] =	sbarrier.arrive $0xFFFF;
	s2 =	simm.s32 @!p0 $0x1C04  }
0x158: {  	[timem:s3], [sflag:s2] =	dma.local @!p0 [hbm:s0], s1  }
0x159: {  	s0 =	simm.s32 @!p0 $0x4  }
0x15a: {  	_ =	swait.ge @!p0 [sflag:s0], s1  }
0x15b: {  	s1 =	ssub.s32 @!p0 $0x0, s1;
	[sflag:s0] =	ssyncset.done @!p0 $0x0  }
0x15c: {  	[sflag:s0] =	ssyncadd.s32 @!p0 s1  }
0x15d: {  	[bflag:$0x3] =	sbarrier.arrive $0xFFFF  }
0x15e: {  	_ =	shalt  }

// kernel: kernel.13.cloned.1.call-start
scs
__scs_entry_jumppad:
0x0: {  	(pc) =	sbr.rel $0x88, $3  }
0x1: {  	(tag) =	ssettag $0x0;
	lr =	simm.s32 $0x1  }
0x2: {  	[smem:$0x3F9D] =	sst lr;
	_ =	strace $0xD0000000  }
0x3: {  	_ = 	snop  }
0x4: {  	_ = 	snop  }
0x5: {  	_ = 	snop  }
0x6: {  	_ = 	snop  }
0x7: {  	_ = 	snop  }
__scs_overlays_trampoline_lowered:
0x8: {  	[smem:$0x3FAC] =	sst s0  }
0x9: {  	[smem:$0x3FAD] =	sst s1  }
0xa: {  	[smem:$0x3FAE] =	sst s2  }
0xb: {  	[smem:$0x3FAF] =	sst s3  }
0xc: {  	[smem:$0x3FB0] =	sst s4  }
0xd: {  	[smem:$0x3FB1] =	sst s5  }
0xe: {  	[smem:$0x3FB2] =	sst s6  }
0xf: {  	[smem:$0x3FB3] =	sst s7  }
0x10: {  	[smem:$0x3FB4] =	sst s8  }
0x11: {  	[smem:$0x3FB5] =	sst s9;
	s0 =	simm.s32 @!p0 $0x0  }
0x12: {  	s1 =	sld [smem:$0x3F9B];
	s0 =	simm.s32 @p0 $0x1  }
0x13: {  	[smem:$0x3FB6] =	sst s0;
	s0 =	simm.s32 @!p1 $0x0  }
0x14: {  	s2 =	sld [smem:$0x3F9A];
	s0 =	simm.s32 @p1 $0x1  }
0x15: {  	[smem:$0x3FB7] =	sst s0;
	s0 =	simm.s32 @!p2 $0x0  }
0x16: {  	s3 =	sld [smem:$0x3FDB];
	s0 =	simm.s32 @p2 $0x1  }
0x17: {  	s4 =	simm.s32 $0x1BF5;
	[smem:$0x3FB9] =	sst s0  }
0x18: {  	s0 =	sld [smem:$0x3F9C];
	_ =	swait.ge [sflag:s4], $0x0  }
0x19: {  	s7 =	sld [smem:$0x3F9D]  }
0x1a: {  	s8 =	sadd.s32 $0xFFFFE003, lr  }
0x1b: {  	s9 =	sadd.s32 $0xFFFFFEF7, lr;
	s5 =	simm.s32 $0xFFFFFFFF;
	p2 =	slt.u32 s8, $0xFFFFF086  }
0x1c: {  	p1 =	slt.u32 s9, $0xF7A;
	s5 =	simm.s32 @!p2 $0x0  }
0x1d: {  	s5 =	simm.s32 @p1 $0x1;
	p0 =	seq.s32 s7, s2  }
0x1e: {  	s7 =	smul.u32 @!p0 $0xF7A, s2;
	p2 =	seq.s32 @!p0 s5, $0x0  }
0x1f: {  	s9 =	smul.u32 $0xF7A, s1;
	s8 =	simm.s32 @!p0 $0x1BF5;
	p2 =	por !p2, p0  }
0x20: {  	[sflag:s8] =	ssyncset.s32 @!p0 $0xFFFFF086;
	s6 =	sadd.s32 @!p0 s3, s7;
	s7 =	simm.s32 @!p0 $0x108  }
0x21: {  	s3 =	sadd.s32 s3, s9;
	s6 =	sadd.s32 @!p0 $0x88, s6;
	s7 =	simm.s32 @p2 $0x1082  }
0x22: {  	[simem:s7], [sflag:s8] =	dma.local @!p0 [hbm:s6], $0xF7A  }
0x23: {  	s9 =	sor.u32 $0xD0000000, s2;
	s6 =	simm.s32 $0x108;
	_ =	swait.ge @!p0 [sflag:s8], $0x0  }
0x24: {  	s3 =	sadd.s32 $0x88, s3;
	s6 =	simm.s32 @!p1 $0x1082;
	[sflag:s4] =	ssyncset.s32 $0xFFFFF086  }
0x25: {  	[simem:s6], [sflag:s4] =	dma.local [hbm:s3], $0xF7A  }
0x26: {  	[smem:$0x3F9D] =	sst s1;
	(tag) =	ssettag s2;
	_ =	strace s9  }
0x27: {  	s1 =	sld [smem:$0x3FAD]  }
0x28: {  	s2 =	sld [smem:$0x3FAE]  }
0x29: {  	s4 =	sld [smem:$0x3FB0]  }
0x2a: {  	p0 =	seq.s32 s5, $0x0;
	s5 =	sld [smem:$0x3FB1]  }
0x2b: {  	s6 =	sld [smem:$0x3FB2]  }
0x2c: {  	s7 =	sld [smem:$0x3FB3]  }
0x2d: {  	s3 =	simm.s32 $0x108;
	s8 =	sld [smem:$0x3FB4]  }
0x2e: {  	s3 =	simm.s32 @!p0 $0x1082;
	s9 =	sld [smem:$0x3FB5]  }
0x2f: {  	lr =	sadd.s32 s0, s3;
	s0 =	sld [smem:$0x3FAC]  }
0x30: {  	s3 =	sld [smem:$0x3FAF]  }
0x31: {  	[smem:$0x3FB8] =	sst s10  }
0x32: {  	s10 =	sld [smem:$0x3FB6];
	_ =	sdelay $0x3  }
0x33: {  	p0 =	seq.s32 s10, $0x1;
	s10 =	sld [smem:$0x3FB8];
	_ =	sdelay $0x3  }
0x34: {  	[smem:$0x3FB8] =	sst s10  }
0x35: {  	s10 =	sld [smem:$0x3FB7];
	_ =	sdelay $0x3  }
0x36: {  	p1 =	seq.s32 s10, $0x1;
	s10 =	sld [smem:$0x3FB8];
	_ =	sdelay $0x3  }
0x37: {  	[smem:$0x3FB8] =	sst s10  }
0x38: {  	s10 =	sld [smem:$0x3FB9]  }
0x39: {  	_ = 	snop;
	(pc) =	sbr.ind lr, $3  }
0x3a: {  	_ = 	snop  }
0x3b: {  	_ = 	snop  }
0x3c: {  	p2 =	seq.s32 s10, $0x1;
	s10 =	sld [smem:$0x3FB8]  }
0x3d: {  	_ =	shalt  }
0x3e: {  	_ =	shalt  }
0x3f: {  	_ =	shalt  }
0x40: {  	_ =	shalt  }
0x41: {  	_ =	shalt  }
0x42: {  	_ =	shalt  }
0x43: {  	_ =	shalt  }
0x44: {  	_ =	shalt  }
0x45: {  	_ =	shalt  }
0x46: {  	_ =	shalt  }
0x47: {  	_ =	shalt  }
0x48: {  	_ =	shalt  }
0x49: {  	_ =	shalt  }
0x4a: {  	_ =	shalt  }
0x4b: {  	_ =	shalt  }
0x4c: {  	_ =	shalt  }
0x4d: {  	_ =	shalt  }
0x4e: {  	_ =	shalt  }
0x4f: {  	_ =	shalt  }
0x50: {  	_ =	shalt  }
0x51: {  	_ =	shalt  }
0x52: {  	_ =	shalt  }
0x53: {  	_ =	shalt  }
0x54: {  	_ =	shalt  }
0x55: {  	_ =	shalt  }
0x56: {  	_ =	shalt  }
0x57: {  	_ =	shalt  }
0x58: {  	_ =	shalt  }
0x59: {  	_ =	shalt  }
0x5a: {  	_ =	shalt  }
0x5b: {  	_ =	shalt  }
0x5c: {  	_ =	shalt  }
0x5d: {  	_ =	shalt  }
0x5e: {  	_ =	shalt  }
0x5f: {  	_ =	shalt  }
0x60: {  	_ =	shalt  }
0x61: {  	_ =	shalt  }
0x62: {  	_ =	shalt  }
0x63: {  	_ =	shalt  }
0x64: {  	_ =	shalt  }
0x65: {  	_ =	shalt  }
0x66: {  	_ =	shalt  }
0x67: {  	_ =	shalt  }
0x68: {  	_ =	shalt  }
0x69: {  	_ =	shalt  }
0x6a: {  	_ =	shalt  }
0x6b: {  	_ =	shalt  }
0x6c: {  	_ =	shalt  }
0x6d: {  	_ =	shalt  }
0x6e: {  	_ =	shalt  }
0x6f: {  	_ =	shalt  }
0x70: {  	_ =	shalt  }
0x71: {  	_ =	shalt  }
0x72: {  	_ =	shalt  }
0x73: {  	_ =	shalt  }
0x74: {  	_ =	shalt  }
0x75: {  	_ =	shalt  }
0x76: {  	_ =	shalt  }
0x77: {  	_ =	shalt  }
0x78: {  	_ =	shalt  }
0x79: {  	_ =	shalt  }
0x7a: {  	_ =	shalt  }
0x7b: {  	_ =	shalt  }
0x7c: {  	_ =	shalt  }
0x7d: {  	_ =	shalt  }
0x7e: {  	_ =	shalt  }
0x7f: {  	_ =	shalt  }
0x80: {  	_ =	shalt  }
0x81: {  	_ =	shalt  }
0x82: {  	_ =	shalt  }
0x83: {  	_ =	shalt  }
0x84: {  	_ =	shalt  }
0x85: {  	_ =	shalt  }
0x86: {  	_ =	shalt  }
0x87: {  	_ =	shalt  }
.Lfunc_end0:
.L_simem_size_0:
called_computation.2_lowered:
.L_overlay_start_0:
0x88: {  	s2 =	sld [smem:$0x3FD9]  }
0x89: {  	s3 =	sld [smem:$0x3FFE];
	_ =	sdelay $0x1  }
0x8a: {  	s1 =	srdreg.scid  }
0x8b: {  	s0 =	sand.u32 $0x1, s1  }
0x8c: {  	s17 =	sshll.u32 s0, $0xA;
	s2 =	sadd.s32 s3, s2  }
0x8d: {  	s2 =	sadd.s32 s2, s17  }
0x8e: {  	[smem:$0x3FC4] =	sst s2  }
0x8f: {  	_ = 	snop  }
0x90: {  	s2 =	sld [smem:$0x3FD0];
	(tm) =	ssettm $0x1  }
0x91: {  	s18 =	sld [smem:$0x3FFB];
	_ =	sdelay $0x3  }
0x92: {  	_ =	strace s18  }
0x93: {  	s3 =	sld [smem:$0x3FFC];
	_ =	sdelay $0x3  }
0x94: {  	_ =	strace s3  }
0x95: {  	s3 =	sld [smem:$0x3FFD];
	_ =	sdelay $0x3  }
0x96: {  	_ =	strace s3  }
0x97: {  	_ =	strace $0x8FFFFFFF  }
0x98: {  	s19 =	sld [smem:$0x3FDB];
	_ =	sdelay $0x1  }
0x99: {  	s4 =	simm.s32 $_scs_section_size  }
0x9a: {  	s5 =	simm.s32 $_size__tile_overlayer_lowered;
	s6 =	simm.s32 $_tile_overlayer_lowered  }
0x9b: {  	s22 =	simm.s32 $0x1BFF;
	s21 =	sshll.u32 s6, $0x1;
	s3 =	sadd.s32 s4, s19  }
0x9c: {  	s7 =	simm.s32 $0x0;
	s20 =	sshll.u32 s5, $0x1;
	s5 =	sadd.s32 s21, s3  }
0x9d: {  	[timem:s7], [sflag:s22] =	dma.local [hbm:s5], s20  }
0x9e: {  	_ =	swait.ge [sflag:s22], s20  }
0x9f: {  	s4 =	ssub.s32 $0x0, s20;
	[sflag:s22] =	ssyncset.done $0x0  }
0xa0: {  	[sflag:s22] =	ssyncadd.s32 s4;
	_ =	sdelay $0x1  }
0xa1: {  	s23 =	simm.s32 $0x1B8B  }
0xa2: {  	_ =	swait.ge [sflag:s23], $0x1  }
0xa3: {  	[sflag:s23] =	ssyncset.done $0x0  }
0xa4: {  	s25 =	simm.s32 $0x1B8E;
	s24 =	sld [smem:$0x3FFE];
	[sflag:s23] =	ssyncadd.s32 $0xFFFFFFFF  }
0xa5: {  	s26 =	simm.s32 $execute0_lowered;
	[smem:$0x3FD2] =	sst s25  }
0xa6: {  	s5 =	sshll.u32 s26, $0x1;
	_ =	strace $0x8000004C;
	[dreg:$0x1] =	wrdreg $0xFFFFFFFF  }
0xa7: {  	s28 =	simm.s32 $_size_execute0_lowered;
	s3 =	sadd.s32 s3, s5;
	[dreg:$0x0] =	wrdreg $0x0  }
0xa8: {  	s5 =	sshll.u32 s28, $0x1;
	[dreg:$0x2] =	wrdreg s3  }
0xa9: {  	[dreg:$0x3] =	wrdreg s5  }
0xaa: {  	[dreg:$0x4] =	wrdreg $0xC0  }
0xab: {  	_ =	task [dreg:s7], $0x5FFFF  }
0xac: {  	[dreg:$0x1] =	wrdreg $0xFFFFFFFF  }
0xad: {  	[dreg:$0x0] =	wrdreg $0x60  }
0xae: {  	[dreg:$0x2] =	wrdreg s24  }
0xaf: {  	[dreg:$0x3] =	wrdreg s2  }
0xb0: {  	[dreg:$0x4] =	wrdreg $0x9  }
0xb1: {  	_ =	task.clear_ibuf [dreg:s7], $0x5FFFF;
	_ =	strace $0x9000004C  }
0xb2: {  	s29 =	simm.s32 $0x9;
	_ =	strace $0x8000004E  }
0xb3: {  	_ =	swait.ge [sflag:s29], $0x1  }
0xb4: {  	[sflag:s29] =	ssyncadd.s32 $0xFFFFFFFF  }
0xb5: {  	_ =	strace $0x9000004E  }
0xb6: {  	_ =	sfence  }
0xb7: {  	s30 =	sld [smem:$0x0];
	_ =	sdelay $0x2  }
0xb8: {  	s31 =	sshll.u32 s1, $0xD;
	s1 =	sshrl.u32 s1, $0x2  }
0xb9: {  	s3 =	sand.u32 $0x4000, s31;
	s1 =	sadd.s32 s1, s30  }
0xba: {  	s0 =	sor.u32 s3, s0;
	s1 =	sshll.u32 s1, $0x11  }
0xbb: {  	s0 =	sor.u32 s1, s0  }
0xbc: {  	s0 =	sadd.s32 $0x8F2B, s0  }
0xbd: {  	[sflag:s0] =	ssyncadd.remote.s32 $0x1  }
0xbe: {  	_ =	sfence.sel $0xFFFF  }
0xbf: {  	[dreg:$0x0] =	wrdreg $0xFFFFFFFF;
	(pc) =	sbr.abs _section_cstart, $3  }
0xc0: {  	[dreg:$0x1] =	wrdreg $0xFFFFFFFF  }
0xc1: {  	_ =	task.clear_ibuf [dreg:s7], $0x2FFFF;
	_ =	strace $0x9FFFFFFF  }
0xc2: {  	(tm) =	ssettm $0x7FFFFFFF  }
0xc3: {  	_ =	shalt  }
tec
execute0_lowered:
.L_overlay_start_1:
0x0: {  	(tag) =	ssettag $0x1  }
0x1: {  	s0 =	rddreg [dreg:$0x0]  }
0x2: {  	s2 =	rddreg [dreg:$0x1]  }
0x3: {  	s1 =	simm.s32 $0x0;
	s4 =	srdreg.scid;
	s6 =	stileid.u32  }
0x4: {  	s14 =	simm.s32 $0x4;
	s18 =	simm.s32 $0x200;
	s12 =	simm.s32 $0xBA00  }
0x5: {  	s19 =	simm.s32 $0xC200;
	s13 =	simm.s32 $0xCA00;
	s28 =	simm.s32 $0x2  }
0x6: {  	s29 =	simm.s32 $0x3;
	s30 =	simm.s32 $0x0;
	[smem:$0x7FF] =	sst s1  }
0x7: {  	s3 =	sadd.s32 $0xC1A00, s0;
	s4 =	sand.u32 $0x1, s4;
	s5 =	sadd.s32 $0x1000, s0  }
0x8: {  	s6 =	sshll.u32 s6, $0x7;
	s8 =	sadd.s32 $0xE00, s0;
	s10 =	sadd.s32 $0xC1D00, s0  }
0x9: {  	_ =	strace $0x8000004D;
	s7 =	sshll.u32 s4, $0x6;
	s4 =	ssub.s32 $0x2, s4  }
0xa: {  	s6 =	sor.u32 s7, s6;
	s20 =	sshrl.u32 s4, $0x1;
	s7 =	simm.s32 $0xAA00  }
0xb: {  	s9 =	sshrl.u32 s6, $0x3;
	s11 =	sor.u32 $0x20, s6;
	s4 =	ssub.s32 s4, s20  }
0xc: {  	s24 =	sshll.u32 s6, $0x7;
	s6 =	simm.s32 $0xA200;
	s20 =	simm.s32 $0xD200  }
0xd: {  	s21 =	sadd.s32 s5, s9;
	s22 =	sshrl.u32 s11, $0x3;
	s9 =	sadd.s32 s8, s9  }
0xe: {  	s25 =	sadd.s32 s2, s24;
	s26 =	sshll.u32 s11, $0x7;
	s31 =	smax.u32 s4, $0x1  }
0xf: {  	s4 =	simm.s32 $0x9200;
	s11 =	simm.s32 $0xB200;
	[dreg:$0x3] =	wrdreg s21  }
0x10: {  	s24 =	simm.s32 $0xF200;
	[dreg:$0x4] =	wrdreg s9;
	s5 =	sadd.s32 s5, s22  }
0x11: {  	s23 =	sadd.s32 s8, s22;
	s8 =	sadd.s32 $0xC1B00, s0;
	[dreg:$0x7] =	wrdreg s25  }
0x12: {  	s9 =	sadd.s32 $0xC1C00, s0;
	s0 =	sadd.s32 s2, s26;
	[dreg:$0x9] =	wrdreg s31  }
0x13: {  	v2 =	vlaneseq.u32;
	s21 =	simm.s32 $0xDA00;
	s22 =	simm.s32 $0xE200;
	[dreg:$0x5] =	wrdreg s5  }
0x14: {  	vm0 =	vmmov $0xffff;
	v1 =	vshrl.u32 v2, $0x3;
	s25 =	simm.s32 $0xFA00;
	s26 =	simm.s32 $0x1;
	[dreg:$0x6] =	wrdreg s23  }
0x15: {  	v0 =	vand.u32 $0x7, v2;
	v2 =	vor.u32 $0x8, v2;
	v1 =	vmul.u32 $0x8, v1;
	[dreg:$0x8] =	wrdreg s0;
	s5 =	simm.s32 $0x9A00;
	s23 =	simm.s32 $0xEA00  }
.LBB2_1:
0x16: {  	s0 =	rddreg [dreg:$0x3]  }
0x17: {  	[tilespmem:s1], [sflag:$0x4] =	stream.linear.gather [hbm4b:s0+s1], $0x20, $0x38;
	[tilespmem:$0x10200] =	vst v63  }
0x18: {  	_ =	swait.ge [sflag:s14], $0x20  }
0x19: {  	[sflag:s14] =	ssyncset.done $0x0  }
0x1a: {  	s2 =	simm.s32 $0x100;
	s17 =	rddreg [dreg:$0x4];
	[sflag:s14] =	ssyncadd.s32 $0xFFFFFFE0  }
0x1b: {  	[tilespmem:s2], [sflag:$0x4] =	stream.linear.gather [hbm4b:s17+s1], $0x20, $0x38;
	[tilespmem:$0x10200] =	vst v63  }
0x1c: {  	_ =	swait.ge [sflag:s14], $0x20  }
0x1d: {  	[sflag:s14] =	ssyncset.done $0x0  }
0x1e: {  	s15 =	simm.s32 $0x80;
	s2 =	rddreg [dreg:$0x5];
	[sflag:s14] =	ssyncadd.s32 $0xFFFFFFE0  }
0x1f: {  	[tilespmem:s15], [sflag:$0x4] =	stream.linear.gather [hbm4b:s2+s1], $0x20, $0x38;
	[tilespmem:$0x10200] =	vst v63  }
0x20: {  	_ =	swait.ge [sflag:s14], $0x20  }
0x21: {  	[sflag:s14] =	ssyncset.done $0x0  }
0x22: {  	s17 =	simm.s32 $0x180;
	s16 =	rddreg [dreg:$0x6];
	[sflag:s14] =	ssyncadd.s32 $0xFFFFFFE0  }
0x23: {  	[tilespmem:s17], [sflag:$0x4] =	stream.linear.gather [hbm4b:s16+s1], $0x20, $0x38;
	[tilespmem:$0x10200] =	vst v63  }
0x24: {  	_ =	swait.ge [sflag:s14], $0x20  }
0x25: {  	[sflag:s14] =	ssyncset.done $0x0  }
0x26: {  	[sflag:s14] =	ssyncadd.s32 $0xFFFFFFE0  }
0x27: {  	v3 =	vld [tilespmem:$0x0];
	_ =	sdelay $0x4  }
0x28: {  	v4 =	vshll.u32 v3, $0x3  }
0x29: {  	v3 =	vand.u32 $0x7, v3;
	v4 =	vand.u32 $0xFFFFFFC0, v4  }
0x2a: {  	v3 =	vor.u32 v3, v4  }
0x2b: {  	v4 =	vperm.xlane v3, v0;
	_ =	sdelay $0x1  }
0x2c: {  	v4 =	vadd.s32 v1, v4;
	_ =	sdelay $0x4  }
0x2d: {  	[tilespmem:s18], [sflag:$0x1] =	stream.indirect_vreg.gather [hbm4b:s3+s1], $0x80, v4, vm0, $0xb8;
	[tilespmem:$0x10200] =	vst v63  }
0x2e: {  	s15 =	simm.s32 $0xA00;
	v3 =	vperm.xlane v3, v2  }
0x2f: {  	[tilespmem:s15], [sflag:$0x1] =	stream.indirect_vreg.gather [hbm4b:s8+s1], $0x80, v4, vm0, $0xb8;
	[tilespmem:$0x10200] =	vst v63  }
0x30: {  	s16 =	simm.s32 $0x1200;
	v3 =	vadd.s32 v1, v3  }
0x31: {  	[tilespmem:s16], [sflag:$0x1] =	stream.indirect_vreg.gather [hbm4b:s9+s1], $0x80, v4, vm0, $0xb8;
	[tilespmem:$0x10200] =	vst v63  }
0x32: {  	s17 =	simm.s32 $0x1A00  }
0x33: {  	[tilespmem:s17], [sflag:$0x1] =	stream.indirect_vreg.gather [hbm4b:s10+s1], $0x80, v4, vm0, $0xb8;
	[tilespmem:$0x10200] =	vst v63  }
0x34: {  	s2 =	simm.s32 $0x2200  }
0x35: {  	[tilespmem:s2], [sflag:$0x1] =	stream.indirect_vreg.gather [hbm4b:s3+s1], $0x80, v3, vm0, $0xb8;
	[tilespmem:$0x10200] =	vst v63  }
0x36: {  	s15 =	simm.s32 $0x2A00  }
0x37: {  	[tilespmem:s15], [sflag:$0x1] =	stream.indirect_vreg.gather [hbm4b:s8+s1], $0x80, v3, vm0, $0xb8;
	[tilespmem:$0x10200] =	vst v63  }
0x38: {  	s16 =	simm.s32 $0x3200  }
0x39: {  	[tilespmem:s16], [sflag:$0x1] =	stream.indirect_vreg.gather [hbm4b:s9+s1], $0x80, v3, vm0, $0xb8;
	[tilespmem:$0x10200] =	vst v63  }
0x3a: {  	s17 =	simm.s32 $0x3A00  }
0x3b: {  	[tilespmem:s17], [sflag:$0x1] =	stream.indirect_vreg.gather [hbm4b:s10+s1], $0x80, v3, vm0, $0xb8;
	[tilespmem:$0x10200] =	vst v63  }
0x3c: {  	v3 =	vld [tilespmem:$0x10];
	_ =	sdelay $0x4  }
0x3d: {  	v4 =	vshll.u32 v3, $0x3  }
0x3e: {  	v3 =	vand.u32 $0x7, v3;
	v4 =	vand.u32 $0xFFFFFFC0, v4  }
0x3f: {  	v3 =	vor.u32 v3, v4  }
0x40: {  	v4 =	vperm.xlane v3, v0;
	_ =	sdelay $0x1  }
0x41: {  	v4 =	vadd.s32 v1, v4;
	_ =	sdelay $0x3  }
0x42: {  	s2 =	simm.s32 $0x4200  }
0x43: {  	[tilespmem:s2], [sflag:$0x1] =	stream.indirect_vreg.gather [hbm4b:s3+s1], $0x80, v4, vm0, $0xb8;
	[tilespmem:$0x10200] =	vst v63  }
0x44: {  	s15 =	simm.s32 $0x4A00;
	v3 =	vperm.xlane v3, v2  }
0x45: {  	[tilespmem:s15], [sflag:$0x1] =	stream.indirect_vreg.gather [hbm4b:s8+s1], $0x80, v4, vm0, $0xb8;
	[tilespmem:$0x10200] =	vst v63  }
0x46: {  	s16 =	simm.s32 $0x5200;
	v3 =	vadd.s32 v1, v3  }
0x47: {  	[tilespmem:s16], [sflag:$0x1] =	stream.indirect_vreg.gather [hbm4b:s9+s1], $0x80, v4, vm0, $0xb8;
	[tilespmem:$0x10200] =	vst v63  }
0x48: {  	s17 =	simm.s32 $0x5A00  }
0x49: {  	[tilespmem:s17], [sflag:$0x1] =	stream.indirect_vreg.gather [hbm4b:s10+s1], $0x80, v4, vm0, $0xb8;
	[tilespmem:$0x10200] =	vst v63  }
0x4a: {  	s2 =	simm.s32 $0x6200  }
0x4b: {  	[tilespmem:s2], [sflag:$0x1] =	stream.indirect_vreg.gather [hbm4b:s3+s1], $0x80, v3, vm0, $0xb8;
	[tilespmem:$0x10200] =	vst v63  }
0x4c: {  	s15 =	simm.s32 $0x6A00  }
0x4d: {  	[tilespmem:s15], [sflag:$0x1] =	stream.indirect_vreg.gather [hbm4b:s8+s1], $0x80, v3, vm0, $0xb8;
	[tilespmem:$0x10200] =	vst v63  }
0x4e: {  	s16 =	simm.s32 $0x7200  }
0x4f: {  	[tilespmem:s16], [sflag:$0x1] =	stream.indirect_vreg.gather [hbm4b:s9+s1], $0x80, v3, vm0, $0xb8;
	[tilespmem:$0x10200] =	vst v63  }
0x50: {  	s17 =	simm.s32 $0x7A00  }
0x51: {  	[tilespmem:s17], [sflag:$0x1] =	stream.indirect_vreg.gather [hbm4b:s10+s1], $0x80, v3, vm0, $0xb8;
	[tilespmem:$0x10200] =	vst v63  }
0x52: {  	v3 =	vld [tilespmem:$0x100];
	_ =	sdelay $0x4  }
0x53: {  	v4 =	vshll.u32 v3, $0x3  }
0x54: {  	v3 =	vand.u32 $0x7, v3;
	v4 =	vand.u32 $0xFFFFFFC0, v4  }
0x55: {  	v3 =	vor.u32 v3, v4  }
0x56: {  	v4 =	vperm.xlane v3, v0;
	_ =	sdelay $0x1  }
0x57: {  	v4 =	vadd.s32 v1, v4;
	_ =	sdelay $0x3  }
0x58: {  	s2 =	simm.s32 $0x8200  }
0x59: {  	[tilespmem:s2], [sflag:$0x2] =	stream.indirect_vreg.gather [hbm4b:s3+s1], $0x80, v4, vm0, $0xb8;
	[tilespmem:$0x10200] =	vst v63  }
0x5a: {  	s15 =	simm.s32 $0x8A00;
	v3 =	vperm.xlane v3, v2  }
0x5b: {  	[tilespmem:s15], [sflag:$0x2] =	stream.indirect_vreg.gather [hbm4b:s8+s1], $0x80, v4, vm0, $0xb8;
	[tilespmem:$0x10200] =	vst v63  }
0x5c: {  	v3 =	vadd.s32 v1, v3  }
0x5d: {  	[tilespmem:s4], [sflag:$0x2] =	stream.indirect_vreg.gather [hbm4b:s9+s1], $0x80, v4, vm0, $0xb8;
	[tilespmem:$0x10200] =	vst v63  }
0x5e: {  	_ = 	snop  }
0x5f: {  	[tilespmem:s5], [sflag:$0x2] =	stream.indirect_vreg.gather [hbm4b:s10+s1], $0x80, v4, vm0, $0xb8;
	[tilespmem:$0x10200] =	vst v63  }
0x60: {  	_ = 	snop  }
0x61: {  	[tilespmem:s6], [sflag:$0x2] =	stream.indirect_vreg.gather [hbm4b:s3+s1], $0x80, v3, vm0, $0xb8;
	[tilespmem:$0x10200] =	vst v63  }
0x62: {  	_ = 	snop  }
0x63: {  	[tilespmem:s7], [sflag:$0x2] =	stream.indirect_vreg.gather [hbm4b:s8+s1], $0x80, v3, vm0, $0xb8;
	[tilespmem:$0x10200] =	vst v63  }
0x64: {  	_ = 	snop  }
0x65: {  	[tilespmem:s11], [sflag:$0x2] =	stream.indirect_vreg.gather [hbm4b:s9+s1], $0x80, v3, vm0, $0xb8;
	[tilespmem:$0x10200] =	vst v63  }
0x66: {  	_ = 	snop  }
0x67: {  	[tilespmem:s12], [sflag:$0x2] =	stream.indirect_vreg.gather [hbm4b:s10+s1], $0x80, v3, vm0, $0xb8;
	[tilespmem:$0x10200] =	vst v63  }
0x68: {  	v3 =	vld [tilespmem:$0x110];
	_ =	sdelay $0x4  }
0x69: {  	v4 =	vshll.u32 v3, $0x3  }
0x6a: {  	v3 =	vand.u32 $0x7, v3;
	v4 =	vand.u32 $0xFFFFFFC0, v4  }
0x6b: {  	v3 =	vor.u32 v3, v4  }
0x6c: {  	v4 =	vperm.xlane v3, v0;
	_ =	sdelay $0x1  }
0x6d: {  	v4 =	vadd.s32 v1, v4;
	_ =	sdelay $0x4  }
0x6e: {  	[tilespmem:s19], [sflag:$0x2] =	stream.indirect_vreg.gather [hbm4b:s3+s1], $0x80, v4, vm0, $0xb8;
	[tilespmem:$0x10200] =	vst v63  }
0x6f: {  	v3 =	vperm.xlane v3, v2  }
0x70: {  	[tilespmem:s13], [sflag:$0x2] =	stream.indirect_vreg.gather [hbm4b:s8+s1], $0x80, v4, vm0, $0xb8;
	[tilespmem:$0x10200] =	vst v63  }
0x71: {  	v3 =	vadd.s32 v1, v3  }
0x72: {  	[tilespmem:s20], [sflag:$0x2] =	stream.indirect_vreg.gather [hbm4b:s9+s1], $0x80, v4, vm0, $0xb8;
	[tilespmem:$0x10200] =	vst v63  }
0x73: {  	_ = 	snop  }
0x74: {  	[tilespmem:s21], [sflag:$0x2] =	stream.indirect_vreg.gather [hbm4b:s10+s1], $0x80, v4, vm0, $0xb8;
	[tilespmem:$0x10200] =	vst v63  }
0x75: {  	_ = 	snop  }
0x76: {  	[tilespmem:s22], [sflag:$0x2] =	stream.indirect_vreg.gather [hbm4b:s3+s1], $0x80, v3, vm0, $0xb8;
	[tilespmem:$0x10200] =	vst v63  }
0x77: {  	_ = 	snop  }
0x78: {  	[tilespmem:s23], [sflag:$0x2] =	stream.indirect_vreg.gather [hbm4b:s8+s1], $0x80, v3, vm0, $0xb8;
	[tilespmem:$0x10200] =	vst v63  }
0x79: {  	_ = 	snop  }
0x7a: {  	[tilespmem:s24], [sflag:$0x2] =	stream.indirect_vreg.gather [hbm4b:s9+s1], $0x80, v3, vm0, $0xb8;
	[tilespmem:$0x10200] =	vst v63  }
0x7b: {  	_ = 	snop  }
0x7c: {  	[tilespmem:s25], [sflag:$0x2] =	stream.indirect_vreg.gather [hbm4b:s10+s1], $0x80, v3, vm0, $0xb8;
	[tilespmem:$0x10200] =	vst v63  }
0x7d: {  	_ =	swait.ge [sflag:s26], $0x8000  }
0x7e: {  	[sflag:s26] =	ssyncset.done $0x0  }
0x7f: {  	s0 =	simm.s32 $0x0;
	[sflag:s26] =	ssyncadd.s32 $0xFFFF8000  }
0x80: {  	s16 =	sand.u32 $0x6000, s0;
	s15 =	sand.u32 $0x1C00, s1;
	_ =	swait.ge [sflag:s28], $0x8000  }
0x81: {  	s17 =	sand.u32 $0x380, s1;
	s2 =	sor.u32 s16, s15;
	[sflag:s28] =	ssyncset.done $0x0  }
0x82: {  	s31 =	sor.u32 s17, s2;
	[sflag:s28] =	ssyncadd.s32 $0xFFFF8000  }
0x83: {  	v3 =	vld [tilespmem:s31+$0x270]  }
0x84: {  	v4 =	vld [tilespmem:s31+$0x8270]  }
0x85: {  	v6 =	vld [tilespmem:s31+$0x200]  }
0x86: {  	v7 =	vld [tilespmem:s31+$0x8200]  }
0x87: {  	v9 =	vld [tilespmem:s31+$0x210]  }
0x88: {  	v10 =	vld [tilespmem:s31+$0x8210]  }
0x89: {  	v5 =	vld [tilespmem:s31+$0x220]  }
0x8a: {  	v8 =	vld [tilespmem:s31+$0x8220]  }
0x8b: {  	v4 =	vadd.f32 v4, v3;
	v3 =	vld [tilespmem:s31+$0x230]  }
0x8c: {  	v7 =	vadd.f32 v7, v6;
	v6 =	vld [tilespmem:s31+$0x8230]  }
0x8d: {  	v9 =	vadd.f32 v10, v9;
	[tilespmem:s31+$0x270] =	vst v4;
	v4 =	vld [tilespmem:s31+$0x240]  }
0x8e: {  	s15 =	simm.s32 $0x0;
	s2 =	simm.s32 $0x0;
	[tilespmem:s31+$0x200] =	vst v7;
	v7 =	vld [tilespmem:s31+$0x8240]  }
.LBB2_2:
0x8f: {  	s0 =	sadd.s32 $0x80, s0;
	[tilespmem:s31+$0x210] =	vst v9;
	v5 =	vadd.f32 v8, v5;
	v8 =	vld [tilespmem:s31+$0x250];
	s2 =	sadd.s32 $0x400, s2  }
0x90: {  	s15 =	sadd.s32 $0x10, s15;
	s16 =	sand.u32 $0x6000, s0;
	s17 =	sand.u32 $0x1C00, s2;
	v9 =	vld [tilespmem:s31+$0x8250]  }
0x91: {  	p0 =	slt.u32 s0, $0x7F80;
	s16 =	sor.u32 s16, s17;
	s17 =	sand.u32 $0x380, s15;
	[tilespmem:s31+$0x220] =	vst v5;
	v3 =	vadd.f32 v6, v3;
	v5 =	vld [tilespmem:s31+$0x260]  }
0x92: {  	s16 =	sor.u32 s17, s16;
	v6 =	vld [tilespmem:s31+$0x8260]  }
0x93: {  	v10 =	vld [tilespmem:s16+$0x270];
	[tilespmem:s31+$0x230] =	vst v3;
	v3 =	vadd.f32 v7, v4  }
0x94: {  	v4 =	vld [tilespmem:s16+$0x8270]  }
0x95: {  	v7 =	vld [tilespmem:s16+$0x200];
	[tilespmem:s31+$0x240] =	vst v3;
	v3 =	vadd.f32 v9, v8  }
0x96: {  	v9 =	vld [tilespmem:s16+$0x8200]  }
0x97: {  	v11 =	vld [tilespmem:s16+$0x210];
	[tilespmem:s31+$0x250] =	vst v3;
	v3 =	vadd.f32 v6, v5  }
0x98: {  	v12 =	vld [tilespmem:s16+$0x8210]  }
0x99: {  	v5 =	vld [tilespmem:s16+$0x220];
	v4 =	vadd.f32 v4, v10;
	[tilespmem:s31+$0x260] =	vst v3;
	s31 =	smov.u32 s16  }
.Ltmp0:
0x9a: {  	v8 =	vld [tilespmem:s31+$0x8220];
	(pc) =	sbr.rel @p0 .LBB2_2-.Ltmp0, $4  }
0x9b: {  	v7 =	vadd.f32 v9, v7;
	v3 =	vld [tilespmem:s31+$0x230];
	[tilespmem:s31+$0x270] =	vst v4  }
0x9c: {  	v6 =	vld [tilespmem:s31+$0x8230]  }
0x9d: {  	[tilespmem:s31+$0x200] =	vst v7;
	v9 =	vadd.f32 v12, v11;
	v4 =	vld [tilespmem:s31+$0x240]  }
0x9e: {  	v7 =	vld [tilespmem:s31+$0x8240]  }
0x9f: {  	v10 =	vld [tilespmem:s31+$0x250]  }
0xa0: {  	v11 =	vld [tilespmem:s31+$0x8250]  }
0xa1: {  	v12 =	vld [tilespmem:s31+$0x260]  }
0xa2: {  	v13 =	vld [tilespmem:s31+$0x8260]  }
0xa3: {  	v5 =	vadd.f32 v8, v5  }
0xa4: {  	[tilespmem:s31+$0x210] =	vst v9;
	v3 =	vadd.f32 v6, v3  }
0xa5: {  	[tilespmem:s31+$0x220] =	vst v5;
	v4 =	vadd.f32 v7, v4  }
0xa6: {  	[tilespmem:s31+$0x230] =	vst v3;
	v3 =	vadd.f32 v11, v10  }
0xa7: {  	[tilespmem:s31+$0x240] =	vst v4;
	v4 =	vadd.f32 v13, v12  }
0xa8: {  	[tilespmem:s31+$0x250] =	vst v3  }
0xa9: {  	[tilespmem:s31+$0x260] =	vst v4  }
0xaa: {  	s31 =	simm.s32 $0x0;
	s0 =	rddreg [dreg:$0x7]  }
0xab: {  	[hbm4b:s0+s31] =	stream.linear.scatter [tilespmem:s18], [sflag:$0x3], $0x8000, $0x38;
	[tilespmem:$0x10200] =	vst v63  }
0xac: {  	_ =	swait.ge [sflag:s29], $0x8000  }
0xad: {  	[sflag:s29] =	ssyncset.done $0x0  }
0xae: {  	[sflag:s29] =	ssyncadd.s32 $0xFFFF8000  }
0xaf: {  	v3 =	vld [tilespmem:$0x80];
	_ =	sdelay $0x4  }
0xb0: {  	v4 =	vshll.u32 v3, $0x3  }
0xb1: {  	v3 =	vand.u32 $0x7, v3;
	v4 =	vand.u32 $0xFFFFFFC0, v4  }
0xb2: {  	v3 =	vor.u32 v3, v4  }
0xb3: {  	v4 =	vperm.xlane v3, v0;
	_ =	sdelay $0x1  }
0xb4: {  	v4 =	vadd.s32 v1, v4;
	_ =	sdelay $0x4  }
0xb5: {  	[tilespmem:s18], [sflag:$0x1] =	stream.indirect_vreg.gather [hbm4b:s3+s31], $0x80, v4, vm0, $0xb8;
	[tilespmem:$0x10200] =	vst v63  }
0xb6: {  	s15 =	simm.s32 $0xA00;
	v3 =	vperm.xlane v3, v2  }
0xb7: {  	[tilespmem:s15], [sflag:$0x1] =	stream.indirect_vreg.gather [hbm4b:s8+s31], $0x80, v4, vm0, $0xb8;
	[tilespmem:$0x10200] =	vst v63  }
0xb8: {  	s16 =	simm.s32 $0x1200;
	v3 =	vadd.s32 v1, v3  }
0xb9: {  	[tilespmem:s16], [sflag:$0x1] =	stream.indirect_vreg.gather [hbm4b:s9+s31], $0x80, v4, vm0, $0xb8;
	[tilespmem:$0x10200] =	vst v63  }
0xba: {  	s17 =	simm.s32 $0x1A00  }
0xbb: {  	[tilespmem:s17], [sflag:$0x1] =	stream.indirect_vreg.gather [hbm4b:s10+s31], $0x80, v4, vm0, $0xb8;
	[tilespmem:$0x10200] =	vst v63  }
0xbc: {  	s2 =	simm.s32 $0x2200  }
0xbd: {  	[tilespmem:s2], [sflag:$0x1] =	stream.indirect_vreg.gather [hbm4b:s3+s31], $0x80, v3, vm0, $0xb8;
	[tilespmem:$0x10200] =	vst v63  }
0xbe: {  	s15 =	simm.s32 $0x2A00  }
0xbf: {  	[tilespmem:s15], [sflag:$0x1] =	stream.indirect_vreg.gather [hbm4b:s8+s31], $0x80, v3, vm0, $0xb8;
	[tilespmem:$0x10200] =	vst v63  }
0xc0: {  	s16 =	simm.s32 $0x3200  }
0xc1: {  	[tilespmem:s16], [sflag:$0x1] =	stream.indirect_vreg.gather [hbm4b:s9+s31], $0x80, v3, vm0, $0xb8;
	[tilespmem:$0x10200] =	vst v63  }
0xc2: {  	s17 =	simm.s32 $0x3A00  }
0xc3: {  	[tilespmem:s17], [sflag:$0x1] =	stream.indirect_vreg.gather [hbm4b:s10+s31], $0x80, v3, vm0, $0xb8;
	[tilespmem:$0x10200] =	vst v63  }
0xc4: {  	v3 =	vld [tilespmem:$0x90];
	_ =	sdelay $0x4  }
0xc5: {  	v4 =	vshll.u32 v3, $0x3  }
0xc6: {  	v3 =	vand.u32 $0x7, v3;
	v4 =	vand.u32 $0xFFFFFFC0, v4  }
0xc7: {  	v3 =	vor.u32 v3, v4  }
0xc8: {  	v4 =	vperm.xlane v3, v0;
	_ =	sdelay $0x1  }
0xc9: {  	v4 =	vadd.s32 v1, v4;
	_ =	sdelay $0x3  }
0xca: {  	s2 =	simm.s32 $0x4200  }
0xcb: {  	[tilespmem:s2], [sflag:$0x1] =	stream.indirect_vreg.gather [hbm4b:s3+s31], $0x80, v4, vm0, $0xb8;
	[tilespmem:$0x10200] =	vst v63  }
0xcc: {  	s15 =	simm.s32 $0x4A00;
	v3 =	vperm.xlane v3, v2  }
0xcd: {  	[tilespmem:s15], [sflag:$0x1] =	stream.indirect_vreg.gather [hbm4b:s8+s31], $0x80, v4, vm0, $0xb8;
	[tilespmem:$0x10200] =	vst v63  }
0xce: {  	s16 =	simm.s32 $0x5200;
	v3 =	vadd.s32 v1, v3  }
0xcf: {  	[tilespmem:s16], [sflag:$0x1] =	stream.indirect_vreg.gather [hbm4b:s9+s31], $0x80, v4, vm0, $0xb8;
	[tilespmem:$0x10200] =	vst v63  }
0xd0: {  	s17 =	simm.s32 $0x5A00  }
0xd1: {  	[tilespmem:s17], [sflag:$0x1] =	stream.indirect_vreg.gather [hbm4b:s10+s31], $0x80, v4, vm0, $0xb8;
	[tilespmem:$0x10200] =	vst v63  }
0xd2: {  	s2 =	simm.s32 $0x6200  }
0xd3: {  	[tilespmem:s2], [sflag:$0x1] =	stream.indirect_vreg.gather [hbm4b:s3+s31], $0x80, v3, vm0, $0xb8;
	[tilespmem:$0x10200] =	vst v63  }
0xd4: {  	s15 =	simm.s32 $0x6A00  }
0xd5: {  	[tilespmem:s15], [sflag:$0x1] =	stream.indirect_vreg.gather [hbm4b:s8+s31], $0x80, v3, vm0, $0xb8;
	[tilespmem:$0x10200] =	vst v63  }
0xd6: {  	s16 =	simm.s32 $0x7200  }
0xd7: {  	[tilespmem:s16], [sflag:$0x1] =	stream.indirect_vreg.gather [hbm4b:s9+s31], $0x80, v3, vm0, $0xb8;
	[tilespmem:$0x10200] =	vst v63  }
0xd8: {  	s17 =	simm.s32 $0x7A00  }
0xd9: {  	[tilespmem:s17], [sflag:$0x1] =	stream.indirect_vreg.gather [hbm4b:s10+s31], $0x80, v3, vm0, $0xb8;
	[tilespmem:$0x10200] =	vst v63  }
0xda: {  	v3 =	vld [tilespmem:$0x180];
	_ =	sdelay $0x4  }
0xdb: {  	v4 =	vshll.u32 v3, $0x3  }
0xdc: {  	v3 =	vand.u32 $0x7, v3;
	v4 =	vand.u32 $0xFFFFFFC0, v4  }
0xdd: {  	v3 =	vor.u32 v3, v4  }
0xde: {  	v4 =	vperm.xlane v3, v0;
	_ =	sdelay $0x1  }
0xdf: {  	v4 =	vadd.s32 v1, v4;
	_ =	sdelay $0x3  }
0xe0: {  	s2 =	simm.s32 $0x8200  }
0xe1: {  	[tilespmem:s2], [sflag:$0x2] =	stream.indirect_vreg.gather [hbm4b:s3+s31], $0x80, v4, vm0, $0xb8;
	[tilespmem:$0x10200] =	vst v63  }
0xe2: {  	s15 =	simm.s32 $0x8A00;
	v3 =	vperm.xlane v3, v2  }
0xe3: {  	[tilespmem:s15], [sflag:$0x2] =	stream.indirect_vreg.gather [hbm4b:s8+s31], $0x80, v4, vm0, $0xb8;
	[tilespmem:$0x10200] =	vst v63  }
0xe4: {  	v3 =	vadd.s32 v1, v3  }
0xe5: {  	[tilespmem:s4], [sflag:$0x2] =	stream.indirect_vreg.gather [hbm4b:s9+s31], $0x80, v4, vm0, $0xb8;
	[tilespmem:$0x10200] =	vst v63  }
0xe6: {  	_ = 	snop  }
0xe7: {  	[tilespmem:s5], [sflag:$0x2] =	stream.indirect_vreg.gather [hbm4b:s10+s31], $0x80, v4, vm0, $0xb8;
	[tilespmem:$0x10200] =	vst v63  }
0xe8: {  	_ = 	snop  }
0xe9: {  	[tilespmem:s6], [sflag:$0x2] =	stream.indirect_vreg.gather [hbm4b:s3+s31], $0x80, v3, vm0, $0xb8;
	[tilespmem:$0x10200] =	vst v63  }
0xea: {  	_ = 	snop  }
0xeb: {  	[tilespmem:s7], [sflag:$0x2] =	stream.indirect_vreg.gather [hbm4b:s8+s31], $0x80, v3, vm0, $0xb8;
	[tilespmem:$0x10200] =	vst v63  }
0xec: {  	_ = 	snop  }
0xed: {  	[tilespmem:s11], [sflag:$0x2] =	stream.indirect_vreg.gather [hbm4b:s9+s31], $0x80, v3, vm0, $0xb8;
	[tilespmem:$0x10200] =	vst v63  }
0xee: {  	_ = 	snop  }
0xef: {  	[tilespmem:s12], [sflag:$0x2] =	stream.indirect_vreg.gather [hbm4b:s10+s31], $0x80, v3, vm0, $0xb8;
	[tilespmem:$0x10200] =	vst v63  }
0xf0: {  	v3 =	vld [tilespmem:$0x190];
	_ =	sdelay $0x4  }
0xf1: {  	v4 =	vshll.u32 v3, $0x3  }
0xf2: {  	v3 =	vand.u32 $0x7, v3;
	v4 =	vand.u32 $0xFFFFFFC0, v4  }
0xf3: {  	v3 =	vor.u32 v3, v4  }
0xf4: {  	v4 =	vperm.xlane v3, v0;
	_ =	sdelay $0x1  }
0xf5: {  	v4 =	vadd.s32 v1, v4;
	_ =	sdelay $0x4  }
0xf6: {  	[tilespmem:s19], [sflag:$0x2] =	stream.indirect_vreg.gather [hbm4b:s3+s31], $0x80, v4, vm0, $0xb8;
	[tilespmem:$0x10200] =	vst v63  }
0xf7: {  	v3 =	vperm.xlane v3, v2  }
0xf8: {  	[tilespmem:s13], [sflag:$0x2] =	stream.indirect_vreg.gather [hbm4b:s8+s31], $0x80, v4, vm0, $0xb8;
	[tilespmem:$0x10200] =	vst v63  }
0xf9: {  	v3 =	vadd.s32 v1, v3  }
0xfa: {  	[tilespmem:s20], [sflag:$0x2] =	stream.indirect_vreg.gather [hbm4b:s9+s31], $0x80, v4, vm0, $0xb8;
	[tilespmem:$0x10200] =	vst v63  }
0xfb: {  	_ = 	snop  }
0xfc: {  	[tilespmem:s21], [sflag:$0x2] =	stream.indirect_vreg.gather [hbm4b:s10+s31], $0x80, v4, vm0, $0xb8;
	[tilespmem:$0x10200] =	vst v63  }
0xfd: {  	_ = 	snop  }
0xfe: {  	[tilespmem:s22], [sflag:$0x2] =	stream.indirect_vreg.gather [hbm4b:s3+s31], $0x80, v3, vm0, $0xb8;
	[tilespmem:$0x10200] =	vst v63  }
0xff: {  	_ = 	snop  }
0x100: {  	[tilespmem:s23], [sflag:$0x2] =	stream.indirect_vreg.gather [hbm4b:s8+s31], $0x80, v3, vm0, $0xb8;
	[tilespmem:$0x10200] =	vst v63  }
0x101: {  	_ = 	snop  }
0x102: {  	[tilespmem:s24], [sflag:$0x2] =	stream.indirect_vreg.gather [hbm4b:s9+s31], $0x80, v3, vm0, $0xb8;
	[tilespmem:$0x10200] =	vst v63  }
0x103: {  	_ = 	snop  }
0x104: {  	[tilespmem:s25], [sflag:$0x2] =	stream.indirect_vreg.gather [hbm4b:s10+s31], $0x80, v3, vm0, $0xb8;
	[tilespmem:$0x10200] =	vst v63  }
0x105: {  	_ =	swait.ge [sflag:s26], $0x8000  }
0x106: {  	[sflag:s26] =	ssyncset.done $0x0  }
0x107: {  	s2 =	simm.s32 $0x0;
	[sflag:s26] =	ssyncadd.s32 $0xFFFF8000  }
0x108: {  	s16 =	sand.u32 $0x6000, s2;
	s15 =	sand.u32 $0x1C00, s31;
	_ =	swait.ge [sflag:s28], $0x8000  }
0x109: {  	s17 =	sand.u32 $0x380, s31;
	s0 =	sor.u32 s16, s15;
	[sflag:s28] =	ssyncset.done $0x0  }
0x10a: {  	s0 =	sor.u32 s17, s0;
	[sflag:s28] =	ssyncadd.s32 $0xFFFF8000  }
0x10b: {  	v3 =	vld [tilespmem:s0+$0x270]  }
0x10c: {  	v4 =	vld [tilespmem:s0+$0x8270]  }
0x10d: {  	v6 =	vld [tilespmem:s0+$0x200]  }
0x10e: {  	v7 =	vld [tilespmem:s0+$0x8200]  }
0x10f: {  	v9 =	vld [tilespmem:s0+$0x210]  }
0x110: {  	v10 =	vld [tilespmem:s0+$0x8210]  }
0x111: {  	v5 =	vld [tilespmem:s0+$0x220]  }
0x112: {  	v8 =	vld [tilespmem:s0+$0x8220]  }
0x113: {  	v4 =	vadd.f32 v4, v3;
	v3 =	vld [tilespmem:s0+$0x230]  }
0x114: {  	v7 =	vadd.f32 v7, v6;
	v6 =	vld [tilespmem:s0+$0x8230]  }
0x115: {  	v9 =	vadd.f32 v10, v9;
	[tilespmem:s0+$0x270] =	vst v4;
	v4 =	vld [tilespmem:s0+$0x240]  }
0x116: {  	s15 =	simm.s32 $0x0;
	[tilespmem:s0+$0x200] =	vst v7;
	v7 =	vld [tilespmem:s0+$0x8240]  }
.LBB2_4:
0x117: {  	s2 =	sadd.s32 $0x80, s2;
	[tilespmem:s0+$0x210] =	vst v9;
	v5 =	vadd.f32 v8, v5;
	v8 =	vld [tilespmem:s0+$0x250];
	s31 =	sadd.s32 $0x400, s31  }
0x118: {  	s15 =	sadd.s32 $0x10, s15;
	s16 =	sand.u32 $0x6000, s2;
	s17 =	sand.u32 $0x1C00, s31;
	v9 =	vld [tilespmem:s0+$0x8250]  }
0x119: {  	p0 =	slt.u32 s2, $0x7F80;
	s16 =	sor.u32 s16, s17;
	s17 =	sand.u32 $0x380, s15;
	[tilespmem:s0+$0x220] =	vst v5;
	v3 =	vadd.f32 v6, v3;
	v5 =	vld [tilespmem:s0+$0x260]  }
0x11a: {  	s16 =	sor.u32 s17, s16;
	v6 =	vld [tilespmem:s0+$0x8260]  }
0x11b: {  	v10 =	vld [tilespmem:s16+$0x270];
	[tilespmem:s0+$0x230] =	vst v3;
	v3 =	vadd.f32 v7, v4  }
0x11c: {  	v4 =	vld [tilespmem:s16+$0x8270]  }
0x11d: {  	v7 =	vld [tilespmem:s16+$0x200];
	[tilespmem:s0+$0x240] =	vst v3;
	v3 =	vadd.f32 v9, v8  }
0x11e: {  	v9 =	vld [tilespmem:s16+$0x8200]  }
0x11f: {  	v11 =	vld [tilespmem:s16+$0x210];
	[tilespmem:s0+$0x250] =	vst v3;
	v3 =	vadd.f32 v6, v5  }
0x120: {  	v12 =	vld [tilespmem:s16+$0x8210]  }
0x121: {  	v5 =	vld [tilespmem:s16+$0x220];
	v4 =	vadd.f32 v4, v10;
	[tilespmem:s0+$0x260] =	vst v3;
	s0 =	smov.u32 s16  }
.Ltmp1:
0x122: {  	v8 =	vld [tilespmem:s0+$0x8220];
	(pc) =	sbr.rel @p0 .LBB2_4-.Ltmp1, $4  }
0x123: {  	v7 =	vadd.f32 v9, v7;
	v3 =	vld [tilespmem:s0+$0x230];
	[tilespmem:s0+$0x270] =	vst v4  }
0x124: {  	v6 =	vld [tilespmem:s0+$0x8230]  }
0x125: {  	[tilespmem:s0+$0x200] =	vst v7;
	v9 =	vadd.f32 v12, v11;
	v4 =	vld [tilespmem:s0+$0x240]  }
0x126: {  	v7 =	vld [tilespmem:s0+$0x8240]  }
0x127: {  	v10 =	vld [tilespmem:s0+$0x250]  }
0x128: {  	v11 =	vld [tilespmem:s0+$0x8250]  }
0x129: {  	v12 =	vld [tilespmem:s0+$0x260]  }
0x12a: {  	v13 =	vld [tilespmem:s0+$0x8260]  }
0x12b: {  	v5 =	vadd.f32 v8, v5  }
0x12c: {  	[tilespmem:s0+$0x210] =	vst v9;
	v3 =	vadd.f32 v6, v3  }
0x12d: {  	[tilespmem:s0+$0x220] =	vst v5;
	v4 =	vadd.f32 v7, v4  }
0x12e: {  	[tilespmem:s0+$0x230] =	vst v3;
	v3 =	vadd.f32 v11, v10  }
0x12f: {  	v63 =	vadd.f32 v13, v12;
	[tilespmem:s0+$0x240] =	vst v4  }
0x130: {  	[tilespmem:s0+$0x250] =	vst v3  }
0x131: {  	[tilespmem:s0+$0x260] =	vst v63  }
0x132: {  	s0 =	rddreg [dreg:$0x8]  }
0x133: {  	[hbm4b:s0+s1] =	stream.linear.scatter [tilespmem:s18], [sflag:$0x3], $0x8000, $0x38;
	[tilespmem:$0x10200] =	vst v63  }
0x134: {  	_ =	swait.ge [sflag:s29], $0x8000  }
0x135: {  	s30 =	sadd.s32 $0x1, s30;
	s31 =	rddreg [dreg:$0x9]  }
0x136: {  	p0 =	sne.s32 s30, s31  }
.Ltmp2:
0x137: {  	_ = 	snop;
	(pc) =	sbr.rel @p0 .LBB2_1-.Ltmp2, $3  }
0x138: {  	_ =	sdelay $0x1  }
0x139: {  	[sflag:s29] =	ssyncset.done $0x0  }
0x13a: {  	[sflag:s29] =	ssyncadd.s32 $0xFFFF8000  }
0x13b: {  	_ =	sfence.sel $0x180000  }
0x13c: {  	[bflag:$0x0] =	sbarrier.arrive $0xFFFF  }
0x13d: {  	_ =	strace $0x9000004D  }
0x13e: {  	s0 =	stileid.u32;
	[bflag:$0x2] =	sbarrier.arrive $0xFFFF  }
0x13f: {  	p0 =	sne.s32 s0, $0x0;
	s0 =	rddreg [dreg:$0x2]  }
0x140: {  	s0 =	sadd.s32 @!p0 $0x100000, s0  }
0x141: {  	[sflag:s0] =	ssyncadd.tile.s32 @!p0 $0x1;
	_ =	shalt  }
.Lfunc_end2:
_tile_overlayer_lowered:
.L_overlay_start_2:
0x142: {  	(tag) =	ssettag $0x2  }
0x143: {  	s0 =	rddreg [dreg:$0x0];
	s2 =	stileid.u32  }
0x144: {  	s1 =	rddreg [dreg:$0x1];
	p0 =	sne.s32 s2, $0x0  }
0x145: {  	s3 =	rddreg [dreg:$0x2];
	[bflag:$0x3] =	sbarrier.arrive $0xFFFF;
	s2 =	simm.s32 @!p0 $0x1C04  }
0x146: {  	[timem:s3], [sflag:s2] =	dma.local @!p0 [hbm:s0], s1  }
0x147: {  	s0 =	simm.s32 @!p0 $0x4  }
0x148: {  	_ =	swait.ge @!p0 [sflag:s0], s1  }
0x149: {  	s1 =	ssub.s32 @!p0 $0x0, s1;
	[sflag:s0] =	ssyncset.done @!p0 $0x0  }
0x14a: {  	[sflag:s0] =	ssyncadd.s32 @!p0 s1  }
0x14b: {  	[bflag:$0x3] =	sbarrier.arrive $0xFFFF  }
0x14c: {  	_ =	shalt  }

// kernel: kernel.7.cloned.1.call-start
scs
__scs_entry_jumppad:
0x0: {  	(pc) =	sbr.rel $0x88, $3  }
0x1: {  	(tag) =	ssettag $0x0;
	lr =	simm.s32 $0x1  }
0x2: {  	[smem:$0x3F9D] =	sst lr;
	_ =	strace $0xD0000000  }
0x3: {  	_ = 	snop  }
0x4: {  	_ = 	snop  }
0x5: {  	_ = 	snop  }
0x6: {  	_ = 	snop  }
0x7: {  	_ = 	snop  }
__scs_overlays_trampoline_lowered:
0x8: {  	[smem:$0x3FAC] =	sst s0  }
0x9: {  	[smem:$0x3FAD] =	sst s1  }
0xa: {  	[smem:$0x3FAE] =	sst s2  }
0xb: {  	[smem:$0x3FAF] =	sst s3  }
0xc: {  	[smem:$0x3FB0] =	sst s4  }
0xd: {  	[smem:$0x3FB1] =	sst s5  }
0xe: {  	[smem:$0x3FB2] =	sst s6  }
0xf: {  	[smem:$0x3FB3] =	sst s7  }
0x10: {  	[smem:$0x3FB4] =	sst s8  }
0x11: {  	[smem:$0x3FB5] =	sst s9;
	s0 =	simm.s32 @!p0 $0x0  }
0x12: {  	s1 =	sld [smem:$0x3F9B];
	s0 =	simm.s32 @p0 $0x1  }
0x13: {  	[smem:$0x3FB6] =	sst s0;
	s0 =	simm.s32 @!p1 $0x0  }
0x14: {  	s2 =	sld [smem:$0x3F9A];
	s0 =	simm.s32 @p1 $0x1  }
0x15: {  	[smem:$0x3FB7] =	sst s0;
	s0 =	simm.s32 @!p2 $0x0  }
0x16: {  	s3 =	sld [smem:$0x3FDB];
	s0 =	simm.s32 @p2 $0x1  }
0x17: {  	s4 =	simm.s32 $0x1BF5;
	[smem:$0x3FB9] =	sst s0  }
0x18: {  	s0 =	sld [smem:$0x3F9C];
	_ =	swait.ge [sflag:s4], $0x0  }
0x19: {  	s7 =	sld [smem:$0x3F9D]  }
0x1a: {  	s8 =	sadd.s32 $0xFFFFE003, lr  }
0x1b: {  	s9 =	sadd.s32 $0xFFFFFEF7, lr;
	s5 =	simm.s32 $0xFFFFFFFF;
	p2 =	slt.u32 s8, $0xFFFFF086  }
0x1c: {  	p1 =	slt.u32 s9, $0xF7A;
	s5 =	simm.s32 @!p2 $0x0  }
0x1d: {  	s5 =	simm.s32 @p1 $0x1;
	p0 =	seq.s32 s7, s2  }
0x1e: {  	s7 =	smul.u32 @!p0 $0xF7A, s2;
	p2 =	seq.s32 @!p0 s5, $0x0  }
0x1f: {  	s9 =	smul.u32 $0xF7A, s1;
	s8 =	simm.s32 @!p0 $0x1BF5;
	p2 =	por !p2, p0  }
0x20: {  	[sflag:s8] =	ssyncset.s32 @!p0 $0xFFFFF086;
	s6 =	sadd.s32 @!p0 s3, s7;
	s7 =	simm.s32 @!p0 $0x108  }
0x21: {  	s3 =	sadd.s32 s3, s9;
	s6 =	sadd.s32 @!p0 $0x88, s6;
	s7 =	simm.s32 @p2 $0x1082  }
0x22: {  	[simem:s7], [sflag:s8] =	dma.local @!p0 [hbm:s6], $0xF7A  }
0x23: {  	s9 =	sor.u32 $0xD0000000, s2;
	s6 =	simm.s32 $0x108;
	_ =	swait.ge @!p0 [sflag:s8], $0x0  }
0x24: {  	s3 =	sadd.s32 $0x88, s3;
	s6 =	simm.s32 @!p1 $0x1082;
	[sflag:s4] =	ssyncset.s32 $0xFFFFF086  }
0x25: {  	[simem:s6], [sflag:s4] =	dma.local [hbm:s3], $0xF7A  }
0x26: {  	[smem:$0x3F9D] =	sst s1;
	(tag) =	ssettag s2;
	_ =	strace s9  }
0x27: {  	s1 =	sld [smem:$0x3FAD]  }
0x28: {  	s2 =	sld [smem:$0x3FAE]  }
0x29: {  	s4 =	sld [smem:$0x3FB0]  }
0x2a: {  	p0 =	seq.s32 s5, $0x0;
	s5 =	sld [smem:$0x3FB1]  }
0x2b: {  	s6 =	sld [smem:$0x3FB2]  }
0x2c: {  	s7 =	sld [smem:$0x3FB3]  }
0x2d: {  	s3 =	simm.s32 $0x108;
	s8 =	sld [smem:$0x3FB4]  }
0x2e: {  	s3 =	simm.s32 @!p0 $0x1082;
	s9 =	sld [smem:$0x3FB5]  }
0x2f: {  	lr =	sadd.s32 s0, s3;
	s0 =	sld [smem:$0x3FAC]  }
0x30: {  	s3 =	sld [smem:$0x3FAF]  }
0x31: {  	[smem:$0x3FB8] =	sst s10  }
0x32: {  	s10 =	sld [smem:$0x3FB6];
	_ =	sdelay $0x3  }
0x33: {  	p0 =	seq.s32 s10, $0x1;
	s10 =	sld [smem:$0x3FB8];
	_ =	sdelay $0x3  }
0x34: {  	[smem:$0x3FB8] =	sst s10  }
0x35: {  	s10 =	sld [smem:$0x3FB7];
	_ =	sdelay $0x3  }
0x36: {  	p1 =	seq.s32 s10, $0x1;
	s10 =	sld [smem:$0x3FB8];
	_ =	sdelay $0x3  }
0x37: {  	[smem:$0x3FB8] =	sst s10  }
0x38: {  	s10 =	sld [smem:$0x3FB9]  }
0x39: {  	_ = 	snop;
	(pc) =	sbr.ind lr, $3  }
0x3a: {  	_ = 	snop  }
0x3b: {  	_ = 	snop  }
0x3c: {  	p2 =	seq.s32 s10, $0x1;
	s10 =	sld [smem:$0x3FB8]  }
0x3d: {  	_ =	shalt  }
0x3e: {  	_ =	shalt  }
0x3f: {  	_ =	shalt  }
0x40: {  	_ =	shalt  }
0x41: {  	_ =	shalt  }
0x42: {  	_ =	shalt  }
0x43: {  	_ =	shalt  }
0x44: {  	_ =	shalt  }
0x45: {  	_ =	shalt  }
0x46: {  	_ =	shalt  }
0x47: {  	_ =	shalt  }
0x48: {  	_ =	shalt  }
0x49: {  	_ =	shalt  }
0x4a: {  	_ =	shalt  }
0x4b: {  	_ =	shalt  }
0x4c: {  	_ =	shalt  }
0x4d: {  	_ =	shalt  }
0x4e: {  	_ =	shalt  }
0x4f: {  	_ =	shalt  }
0x50: {  	_ =	shalt  }
0x51: {  	_ =	shalt  }
0x52: {  	_ =	shalt  }
0x53: {  	_ =	shalt  }
0x54: {  	_ =	shalt  }
0x55: {  	_ =	shalt  }
0x56: {  	_ =	shalt  }
0x57: {  	_ =	shalt  }
0x58: {  	_ =	shalt  }
0x59: {  	_ =	shalt  }
0x5a: {  	_ =	shalt  }
0x5b: {  	_ =	shalt  }
0x5c: {  	_ =	shalt  }
0x5d: {  	_ =	shalt  }
0x5e: {  	_ =	shalt  }
0x5f: {  	_ =	shalt  }
0x60: {  	_ =	shalt  }
0x61: {  	_ =	shalt  }
0x62: {  	_ =	shalt  }
0x63: {  	_ =	shalt  }
0x64: {  	_ =	shalt  }
0x65: {  	_ =	shalt  }
0x66: {  	_ =	shalt  }
0x67: {  	_ =	shalt  }
0x68: {  	_ =	shalt  }
0x69: {  	_ =	shalt  }
0x6a: {  	_ =	shalt  }
0x6b: {  	_ =	shalt  }
0x6c: {  	_ =	shalt  }
0x6d: {  	_ =	shalt  }
0x6e: {  	_ =	shalt  }
0x6f: {  	_ =	shalt  }
0x70: {  	_ =	shalt  }
0x71: {  	_ =	shalt  }
0x72: {  	_ =	shalt  }
0x73: {  	_ =	shalt  }
0x74: {  	_ =	shalt  }
0x75: {  	_ =	shalt  }
0x76: {  	_ =	shalt  }
0x77: {  	_ =	shalt  }
0x78: {  	_ =	shalt  }
0x79: {  	_ =	shalt  }
0x7a: {  	_ =	shalt  }
0x7b: {  	_ =	shalt  }
0x7c: {  	_ =	shalt  }
0x7d: {  	_ =	shalt  }
0x7e: {  	_ =	shalt  }
0x7f: {  	_ =	shalt  }
0x80: {  	_ =	shalt  }
0x81: {  	_ =	shalt  }
0x82: {  	_ =	shalt  }
0x83: {  	_ =	shalt  }
0x84: {  	_ =	shalt  }
0x85: {  	_ =	shalt  }
0x86: {  	_ =	shalt  }
0x87: {  	_ =	shalt  }
.Lfunc_end0:
.L_simem_size_0:
called_computation_lowered:
.L_overlay_start_0:
0x88: {  	s2 =	sld [smem:$0x3FD9]  }
0x89: {  	s3 =	sld [smem:$0x3FFE];
	_ =	sdelay $0x1  }
0x8a: {  	s1 =	srdreg.scid  }
0x8b: {  	s0 =	sand.u32 $0x1, s1  }
0x8c: {  	s17 =	sshll.u32 s0, $0xA;
	s2 =	sadd.s32 s3, s2  }
0x8d: {  	s2 =	sadd.s32 s2, s17  }
0x8e: {  	[smem:$0x3FC4] =	sst s2  }
0x8f: {  	_ = 	snop  }
0x90: {  	s2 =	sld [smem:$0x3FD0];
	(tm) =	ssettm $0x1  }
0x91: {  	s18 =	sld [smem:$0x3FFB];
	_ =	sdelay $0x3  }
0x92: {  	_ =	strace s18  }
0x93: {  	s3 =	sld [smem:$0x3FFC];
	_ =	sdelay $0x3  }
0x94: {  	_ =	strace s3  }
0x95: {  	s3 =	sld [smem:$0x3FFD];
	_ =	sdelay $0x3  }
0x96: {  	_ =	strace s3  }
0x97: {  	_ =	strace $0x8FFFFFFF  }
0x98: {  	s19 =	sld [smem:$0x3FDB];
	_ =	sdelay $0x1  }
0x99: {  	s4 =	simm.s32 $_scs_section_size  }
0x9a: {  	s5 =	simm.s32 $_size__tile_overlayer_lowered;
	s6 =	simm.s32 $_tile_overlayer_lowered  }
0x9b: {  	s22 =	simm.s32 $0x1BFF;
	s21 =	sshll.u32 s6, $0x1;
	s3 =	sadd.s32 s4, s19  }
0x9c: {  	s7 =	simm.s32 $0x0;
	s20 =	sshll.u32 s5, $0x1;
	s5 =	sadd.s32 s21, s3  }
0x9d: {  	[timem:s7], [sflag:s22] =	dma.local [hbm:s5], s20  }
0x9e: {  	_ =	swait.ge [sflag:s22], s20  }
0x9f: {  	s4 =	ssub.s32 $0x0, s20;
	[sflag:s22] =	ssyncset.done $0x0  }
0xa0: {  	[sflag:s22] =	ssyncadd.s32 s4;
	_ =	sdelay $0x1  }
0xa1: {  	s23 =	simm.s32 $0x1B8B  }
0xa2: {  	_ =	swait.ge [sflag:s23], $0x1  }
0xa3: {  	[sflag:s23] =	ssyncset.done $0x0  }
0xa4: {  	s25 =	simm.s32 $0x1B8E;
	s24 =	sld [smem:$0x3FFE];
	[sflag:s23] =	ssyncadd.s32 $0xFFFFFFFF  }
0xa5: {  	s26 =	simm.s32 $execute0_lowered;
	[smem:$0x3FD2] =	sst s25  }
0xa6: {  	s5 =	sshll.u32 s26, $0x1;
	_ =	strace $0x80000046;
	[dreg:$0x1] =	wrdreg $0xFFFFFFFF  }
0xa7: {  	s28 =	simm.s32 $_size_execute0_lowered;
	s3 =	sadd.s32 s3, s5;
	[dreg:$0x0] =	wrdreg $0x0  }
0xa8: {  	s5 =	sshll.u32 s28, $0x1;
	[dreg:$0x2] =	wrdreg s3  }
0xa9: {  	[dreg:$0x3] =	wrdreg s5  }
0xaa: {  	[dreg:$0x4] =	wrdreg $0xC0  }
0xab: {  	_ =	task [dreg:s7], $0x5FFFF  }
0xac: {  	[dreg:$0x1] =	wrdreg $0xFFFFFFFF  }
0xad: {  	[dreg:$0x0] =	wrdreg $0x60  }
0xae: {  	[dreg:$0x2] =	wrdreg s24  }
0xaf: {  	[dreg:$0x3] =	wrdreg s2  }
0xb0: {  	[dreg:$0x4] =	wrdreg $0x9  }
0xb1: {  	_ =	task.clear_ibuf [dreg:s7], $0x5FFFF;
	_ =	strace $0x90000046  }
0xb2: {  	s29 =	simm.s32 $0x9;
	_ =	strace $0x80000048  }
0xb3: {  	_ =	swait.ge [sflag:s29], $0x1  }
0xb4: {  	[sflag:s29] =	ssyncadd.s32 $0xFFFFFFFF  }
0xb5: {  	_ =	strace $0x90000048  }
0xb6: {  	_ =	sfence  }
0xb7: {  	s30 =	sld [smem:$0x0];
	_ =	sdelay $0x2  }
0xb8: {  	s31 =	sshll.u32 s1, $0xD;
	s1 =	sshrl.u32 s1, $0x2  }
0xb9: {  	s3 =	sand.u32 $0x4000, s31;
	s1 =	sadd.s32 s1, s30  }
0xba: {  	s0 =	sor.u32 s3, s0;
	s1 =	sshll.u32 s1, $0x11  }
0xbb: {  	s0 =	sor.u32 s1, s0  }
0xbc: {  	s0 =	sadd.s32 $0x8F2B, s0  }
0xbd: {  	[sflag:s0] =	ssyncadd.remote.s32 $0x1  }
0xbe: {  	_ =	sfence.sel $0xFFFF  }
0xbf: {  	[dreg:$0x0] =	wrdreg $0xFFFFFFFF;
	(pc) =	sbr.abs _section_cstart, $3  }
0xc0: {  	[dreg:$0x1] =	wrdreg $0xFFFFFFFF  }
0xc1: {  	_ =	task.clear_ibuf [dreg:s7], $0x2FFFF;
	_ =	strace $0x9FFFFFFF  }
0xc2: {  	(tm) =	ssettm $0x7FFFFFFF  }
0xc3: {  	_ =	shalt  }
tec
execute0_lowered:
.L_overlay_start_1:
0x0: {  	(tag) =	ssettag $0x1  }
0x1: {  	s0 =	srdreg.scid  }
0x2: {  	s3 =	sand.u32 $0x1, s0;
	s0 =	stileid.u32  }
0x3: {  	s4 =	sshll.u32 s0, $0x1;
	s5 =	ssub.s32 $0x0, s3  }
0x4: {  	p0 =	sne.s32 s4, s5  }
.Ltmp0:
0x5: {  	_ = 	snop;
	(pc) =	sbr.rel @p0 .LBB2_9-.Ltmp0, $4  }
0x6: {  	_ = 	snop  }
0x7: {  	s7 =	rddreg [dreg:$0x0]  }
0x8: {  	s2 =	rddreg [dreg:$0x1]  }
0x9: {  	s1 =	rddreg [dreg:$0x2];
	_ =	strace $0x80000047  }
0xa: {  	s6 =	ssub.s32 $0x2, s3;
	s3 =	sadd.s32 $0x1000, s7;
	s4 =	sadd.s32 $0xE00, s7  }
0xb: {  	s5 =	sadd.s32 $0x1400, s7;
	s9 =	simm.s32 $0x0;
	s10 =	simm.s32 $0x1  }
0xc: {  	s11 =	simm.s32 $0x1000;
	s12 =	simm.s32 $0x6000;
	s13 =	simm.s32 $0x2000  }
0xd: {  	s14 =	simm.s32 $0x3800;
	s15 =	simm.s32 $0x5000;
	s8 =	sshrl.u32 s6, $0x1  }
0xe: {  	s16 =	simm.s32 $0x6080;
	s17 =	simm.s32 $0x0;
	s8 =	ssub.s32 s6, s8  }
0xf: {  	v0 =	vimm.s32 $0x0;
	v1 =	vimm.f32 $0.0e+00;
	v2 =	vlaneseq.u32;
	s6 =	sadd.s32 $0x1200, s7;
	s7 =	sadd.s32 $0x1800, s7;
	s8 =	smax.u32 s8, $0x1  }
.LBB2_2:
0x10: {  	[tilespmem:s9], [sflag:$0x1] =	stream.linear.gather [hbm4b:s3+s9], $0x1000, $0x38;
	[tilespmem:$0x6100] =	vst v63  }
0x11: {  	_ =	swait.ge [sflag:s10], $0x1000  }
0x12: {  	[sflag:s10] =	ssyncset.done $0x0  }
0x13: {  	[sflag:s10] =	ssyncadd.s32 $0xFFFFF000  }
0x14: {  	[tilespmem:s11], [sflag:$0x1] =	stream.linear.gather [hbm4b:s4+s9], $0x1000, $0x38;
	[tilespmem:$0x6100] =	vst v63  }
0x15: {  	_ =	swait.ge [sflag:s10], $0x1000  }
0x16: {  	[sflag:s10] =	ssyncset.done $0x0  }
0x17: {  	[sflag:s10] =	ssyncadd.s32 $0xFFFFF000  }
0x18: {  	s18 =	simm.s32 $0x2040;
	[tilespmem:$0x6000] =	vst v0  }
0x19: {  	[tilespmem:s18+$0x30] =	vst v0  }
0x1a: {  	[tilespmem:s18+$0xFFFFFFF0] =	vst v0  }
0x1b: {  	[tilespmem:s18+$0xFFFFFFC0] =	vst v0  }
0x1c: {  	[tilespmem:s18+$0xFFFFFFE0] =	vst v0  }
0x1d: {  	[tilespmem:s18+$0x10] =	vst v0  }
0x1e: {  	[tilespmem:s18+$0x20] =	vst v0  }
0x1f: {  	[tilespmem:s18+$0x0] =	vst v0  }
0x20: {  	s19 =	simm.s32 $0x3840;
	[tilespmem:s18+$0xFFFFFFD0] =	vst v0  }
0x21: {  	[tilespmem:s19+$0xFFFFFFC0] =	vst v1  }
0x22: {  	[tilespmem:s19+$0x30] =	vst v1  }
0x23: {  	[tilespmem:s19+$0x20] =	vst v1  }
0x24: {  	[tilespmem:s19+$0x10] =	vst v1  }
0x25: {  	[tilespmem:s19+$0xFFFFFFE0] =	vst v1  }
0x26: {  	[tilespmem:s19+$0x0] =	vst v1  }
0x27: {  	s20 =	simm.s32 $0x0;
	[tilespmem:s19+$0xFFFFFFF0] =	vst v1  }
.LBB2_3:
0x28: {  	s20 =	sadd.s32 $0x80, s20;
	[tilespmem:s19+$0xFFFFFFD0] =	vst v1;
	s18 =	sadd.s32 $0x80, s18;
	s19 =	sadd.s32 $0x80, s19  }
0x29: {  	[tilespmem:s18+$0x30] =	vst v0;
	p0 =	slt.u32 s20, $0x1780  }
0x2a: {  	[tilespmem:s18+$0xFFFFFFF0] =	vst v0  }
0x2b: {  	[tilespmem:s18+$0xFFFFFFC0] =	vst v0  }
0x2c: {  	[tilespmem:s19+$0xFFFFFFC0] =	vst v1  }
0x2d: {  	[tilespmem:s19+$0x30] =	vst v1  }
0x2e: {  	[tilespmem:s18+$0xFFFFFFE0] =	vst v0  }
0x2f: {  	[tilespmem:s18+$0x10] =	vst v0  }
0x30: {  	[tilespmem:s18+$0x20] =	vst v0  }
0x31: {  	[tilespmem:s19+$0x20] =	vst v1  }
0x32: {  	[tilespmem:s19+$0x10] =	vst v1  }
.Ltmp1:
0x33: {  	[tilespmem:s19+$0xFFFFFFE0] =	vst v1;
	(pc) =	sbr.rel @p0 .LBB2_3-.Ltmp1, $4  }
0x34: {  	[tilespmem:s18+$0x0] =	vst v0  }
0x35: {  	[tilespmem:s19+$0x0] =	vst v1  }
0x36: {  	[tilespmem:s19+$0xFFFFFFF0] =	vst v1  }
0x37: {  	[tilespmem:s18+$0xFFFFFFD0] =	vst v0  }
0x38: {  	[tilespmem:s19+$0xFFFFFFD0] =	vst v1;
	s19 =	simm.s32 $0x0;
	s18 =	simm.s32 $0x40  }
.LBB2_5:
0x39: {  	p0 =	sne.s32 s18, $0x3FC0;
	v3 =	vld [tilespmem:s19+$0x0];
	_ =	sdelay $0x4  }
0x3a: {  	(xrf1) =	vunique.msk.u32 $0xffff, v3;
	_ =	sdelay $0xc  }
0x3b: {  	v4 =	vld.idx.msk [tilespmem:v3+s12+$0x0], $0xffff  }
0x3c: {  	_, v5, vm0 =	vpop (xrf1);
	_ =	sdelay $0x1  }
.Ltmp2:
0x3d: {  	(pc) =	sbr.rel @p0 .LBB2_5-.Ltmp2, $3  }
0x3e: {  	_ =	sdelay $0x1  }
0x3f: {  	v4 =	vadd.s32 v4, v5  }
0x40: {  	s19 =	sshra.s32 s18, $0x2;
	s18 =	sadd.s32 $0x40, s18;
	[tilespmem:v3+s12+$0x0] =	vst.idx.msk vm0, v4  }
0x41: {  	v3 =	vld [tilespmem:s19+$0x0];
	_ =	sdelay $0x4  }
0x42: {  	(xrf1) =	vunique.msk.u32 $0xffff, v3;
	_ =	sdelay $0xd  }
0x43: {  	v4 =	vld.idx.msk [tilespmem:v3+s12+$0x0], $0xffff;
	_, v5, vm0 =	vpop (xrf1);
	_ =	sdelay $0x4  }
0x44: {  	v4 =	vadd.s32 v4, v5  }
0x45: {  	[tilespmem:v3+s12+$0x0] =	vst.idx.msk vm0, v4  }
0x46: {  	v3 =	vld [tilespmem:$0x6000];
	_ =	sdelay $0x4  }
0x47: {  	v3 =	vadd.s32 $0xFF, v3  }
0x48: {  	v3 =	vand.u32 $0xFFFFFF00, v3  }
0x49: {  	(xrf0) =	vadd.scan.msk.s32 $0xffff, v3;
	_ =	sdelay $0x5  }
0x4a: {  	v4, _, _ =	vpop (xrf0)  }
0x4b: {  	[tilespmem:$0x6080] =	vst v4;
	v3 =	vsub.s32 v4, v3  }
0x4c: {  	s18 =	simm.s32 $0x0;
	[tilespmem:$0x6000] =	vst v3  }
0x4d: {  	v4 =	vld [tilespmem:s18+$0x0];
	_ =	sdelay $0x4  }
0x4e: {  	(xrf1) =	vunique.msk.u32 $0xffff, v4;
	_ =	sdelay $0xa  }
0x4f: {  	v3 =	vld.idx.msk [tilespmem:v4+s12+$0x0], $0xffff;
	_ =	sdelay $0x2  }
0x50: {  	_, v5, vm15 =	vpop (xrf1);
	_ =	sdelay $0x1  }
0x51: {  	v5 =	vadd.s32 v3, v5  }
0x52: {  	v3 =	vadd.s32 $0xFFFFFFFF, v5;
	_ =	sdelay $0x2  }
0x53: {  	s19 =	simm.s32 $0x5000;
	[tilespmem:v4+s12+$0x0] =	vst.idx.msk vm15, v5;
	v4 =	vor.u32 s18, v2  }
0x54: {  	[tilespmem:s19+$0x0] =	vst v3;
	v4 =	vshrl.u32 v4, $0x1  }
0x55: {  	s20 =	simm.s32 $0x1000;
	[tilespmem:v3+s13+$0x0] =	vst.idx.msk $0xffff, v4  }
0x56: {  	s21 =	simm.s32 $0x10;
	v4 =	vld [tilespmem:s20+$0x0]  }
.LBB2_7:
0x57: {  	_ =	sdelay $0x3  }
0x58: {  	s18 =	sadd.s32 $0x10, s18;
	s19 =	sadd.s32 $0x10, s19;
	s20 =	sadd.s32 $0x10, s20;
	[tilespmem:v3+s14+$0x0] =	vst.idx.msk $0xffff, v4  }
0x59: {  	p0 =	sne.s32 s21, $0xFF0;
	s22 =	smov.u32 s21;
	s21 =	sadd.s32 $0x10, s21;
	v4 =	vld [tilespmem:s18+$0x0]  }
0x5a: {  	_ =	sdelay $0x3  }
0x5b: {  	(xrf1) =	vunique.msk.u32 $0xffff, v4;
	_ =	sdelay $0x9  }
0x5c: {  	v3 =	vld.idx.msk [tilespmem:v4+s12+$0x0], $0xffff;
	_ =	sdelay $0x3  }
0x5d: {  	_, v5, vm0 =	vpop (xrf1);
	_ =	sdelay $0x1  }
0x5e: {  	v5 =	vadd.s32 v3, v5  }
0x5f: {  	v3 =	vadd.s32 $0xFFFFFFFF, v5;
	_ =	sdelay $0x1  }
.Ltmp3:
0x60: {  	(pc) =	sbr.rel @p0 .LBB2_7-.Ltmp3, $4  }
0x61: {  	[tilespmem:v4+s12+$0x0] =	vst.idx.msk vm0, v5;
	v4 =	vor.u32 s22, v2  }
0x62: {  	[tilespmem:s19+$0x0] =	vst v3;
	v4 =	vshrl.u32 v4, $0x1  }
0x63: {  	[tilespmem:v3+s13+$0x0] =	vst.idx.msk $0xffff, v4  }
0x64: {  	v4 =	vld [tilespmem:s20+$0x0]  }
0x65: {  	_ =	sdelay $0x3  }
0x66: {  	[tilespmem:v3+s14+$0x0] =	vst.idx.msk $0xffff, v4  }
0x67: {  	[hbm4b:s2+s9] =	stream.linear.scatter [tilespmem:s13], [sflag:$0x1], $0x1800, $0x38;
	[tilespmem:$0x6100] =	vst v63  }
0x68: {  	_ =	swait.ge [sflag:s10], $0x1800  }
0x69: {  	[sflag:s10] =	ssyncset.done $0x0  }
0x6a: {  	[sflag:s10] =	ssyncadd.s32 $0xFFFFE800  }
0x6b: {  	[hbm4b:s5+s9] =	stream.linear.scatter [tilespmem:s14], [sflag:$0x1], $0x1800, $0x38;
	[tilespmem:$0x6100] =	vst v63  }
0x6c: {  	_ =	swait.ge [sflag:s10], $0x1800  }
0x6d: {  	[sflag:s10] =	ssyncset.done $0x0  }
0x6e: {  	[sflag:s10] =	ssyncadd.s32 $0xFFFFE800  }
0x6f: {  	[hbm4b:s6+s9] =	stream.linear.scatter [tilespmem:s15], [sflag:$0x1], $0x1000, $0x38;
	[tilespmem:$0x6100] =	vst v63  }
0x70: {  	s17 =	sadd.s32 $0x1, s17;
	_ =	swait.ge [sflag:s10], $0x1000  }
0x71: {  	p0 =	sne.s32 s17, s8;
	[sflag:s10] =	ssyncset.done $0x0  }
.Ltmp4:
0x72: {  	[sflag:s10] =	ssyncadd.s32 $0xFFFFF000;
	(pc) =	sbr.rel @p0 .LBB2_2-.Ltmp4, $4  }
0x73: {  	[hbm4b:s7+s9] =	stream.linear.scatter [tilespmem:s16], [sflag:$0x1], $0x80, $0x38;
	[tilespmem:$0x6100] =	vst v63  }
0x74: {  	_ =	swait.ge [sflag:s10], $0x80  }
0x75: {  	[sflag:s10] =	ssyncset.done $0x0  }
0x76: {  	[sflag:s10] =	ssyncadd.s32 $0xFFFFFF80  }
.LBB2_9:
0x77: {  	_ =	sfence.sel $0x180000  }
0x78: {  	[bflag:$0x0] =	sbarrier.arrive $0xFFFF  }
0x79: {  	p0 =	sne.s32 s0, $0x0;
	_ =	strace $0x90000047  }
0x7a: {  	s0 =	sadd.s32 @!p0 $0x100000, s1;
	[bflag:$0x2] =	sbarrier.arrive $0xFFFF  }
0x7b: {  	[sflag:s0] =	ssyncadd.tile.s32 @!p0 $0x1;
	_ =	shalt  }
.Lfunc_end2:
_tile_overlayer_lowered:
.L_overlay_start_2:
0x7c: {  	(tag) =	ssettag $0x2  }
0x7d: {  	s0 =	rddreg [dreg:$0x0];
	s2 =	stileid.u32  }
0x7e: {  	s1 =	rddreg [dreg:$0x1];
	p0 =	sne.s32 s2, $0x0  }
0x7f: {  	s3 =	rddreg [dreg:$0x2];
	[bflag:$0x3] =	sbarrier.arrive $0xFFFF;
	s2 =	simm.s32 @!p0 $0x1C01  }
0x80: {  	[timem:s3], [sflag:s2] =	dma.local @!p0 [hbm:s0], s1  }
0x81: {  	s0 =	simm.s32 @!p0 $0x1  }
0x82: {  	_ =	swait.ge @!p0 [sflag:s0], s1  }
0x83: {  	s1 =	ssub.s32 @!p0 $0x0, s1;
	[sflag:s0] =	ssyncset.done @!p0 $0x0  }
0x84: {  	[sflag:s0] =	ssyncadd.s32 @!p0 s1  }
0x85: {  	[bflag:$0x3] =	sbarrier.arrive $0xFFFF  }
0x86: {  	_ =	shalt  }

</sc_bundles>
